<compile_context>
chip_gen: v7x
topology: tpu7x:2x2x1
jax: 0.10.2.dev20260603
libtpu: 0.0.44.dev20260713+nightly
codegen_flags: <defaults>
</compile_context>

<pallas_src>
import functools

import jax
import jax.numpy as jnp
from jax import lax
from jax.experimental import pallas as pl
from jax.experimental.pallas import tpu as pltpu
from jax.experimental.pallas import tpu_sc as plsc

NC = 2
NS = 16
LANES = 16

B = 80


def _mm_body(h_ref, w_ref, z_ref):
    z_ref[...] = lax.dot_general(
        h_ref[...], w_ref[...], (((1,), (1,)), ((), ())),
        preferred_element_type=jnp.float32)


def _norm_body(s_ref, den_ref, out_ref):
    s = s_ref[0] + s_ref[1]
    d = den_ref[...]
    dsum = d[:, 0] + d[:, 1]
    safe = jnp.where(dsum > 0.0, dsum, 1.0)
    out_ref[...] = s / safe[:, None]


def _sc_body(n_nodes, n_pad, n_edges, z_hbm, ei_hbm, beta_hbm,
             zs_hbm, zd_hbm, s_out, den_out, s_sh, den_sh,
             si0, di0, si1, di1, dsc0, dsc1, zs0, zd0, zs1, zd1, exv0,
             exv1, betav, semz0, semz1, semi0, semi1, semsc0, semsc1):
    cid = lax.axis_index("c")
    sid = lax.axis_index("s")
    wid = cid * NS + sid

    rpt = (n_nodes // NS) // 8 * 8
    rem = n_nodes - NS * rpt
    row0 = pl.multiple_of(sid * rpt, 8)

    pltpu.sync_copy(zs_hbm.at[pl.ds(row0, rpt)],
                    s_sh.at[pl.ds(row0, rpt)])

    @pl.when(sid == NS - 1)
    def _():
        pltpu.sync_copy(zs_hbm.at[pl.ds(NS * rpt, rem)],
                        s_sh.at[pl.ds(NS * rpt, rem)])

    @pl.when(sid == 0)
    def _():
        pltpu.sync_copy(zd_hbm, den_sh)

    pltpu.sync_copy(beta_hbm, betav)
    bvec = betav[...]
    plsc.subcore_barrier()

    epw = n_edges // (NC * NS)
    nch = epw // B
    base_w = wid * epw
    lanes = lax.iota(jnp.int32, LANES)

    def idx_load(c, si, di, semi):
        base = pl.multiple_of(base_w + c * B, 8)
        base2 = pl.multiple_of(n_edges + base_w + c * B, 8)
        pltpu.async_copy(ei_hbm.at[pl.ds(base, B)], si, semi)
        pltpu.async_copy(ei_hbm.at[pl.ds(base2, B)], di, semi)

    def idx_wait(si, di, semi):
        pltpu.make_async_copy(ei_hbm.at[pl.ds(0, B)], si, semi).wait()
        pltpu.make_async_copy(ei_hbm.at[pl.ds(0, B)], di, semi).wait()

    def gather(si, di, zs, zd, semz):
        pltpu.async_copy(z_hbm.at[si], zs, semz)
        pltpu.async_copy(z_hbm.at[di], zd, semz)

    def gather_wait(zs, zd, semz):
        pltpu.make_async_copy(z_hbm.at[pl.ds(0, B)], zs, semz).wait()
        pltpu.make_async_copy(z_hbm.at[pl.ds(0, B)], zd, semz).wait()

    def compute_chunk(zs, zd, exv, didx, dscat, semsc):
        for i in range(B // LANES):
            dscat[pl.ds(i * LANES, LANES)] = didx[pl.ds(i * LANES, LANES)]

        bscal = bvec[0]
        lane0 = lanes == 0

        def edge_body(e, carry2):
            acc = jnp.zeros((LANES,), jnp.float32)
            regs = []
            for k in range(zs.shape[1] // LANES):
                a = zs[e, pl.ds(k * LANES, LANES)]
                d_ = zd[e, pl.ds(k * LANES, LANES)]
                t = a - d_
                acc = acc + t * t
                regs.append(a)
            ss = jnp.sum(acc) + 1e-12
            ib = lax.bitcast_convert_type(ss, jnp.int32)
            y = lax.bitcast_convert_type(
                jnp.int32(0x5F3759DF) - (ib >> 1), jnp.float32)
            for _ in range(3):
                y = y * (1.5 - 0.5 * ss * y * y)
            arg = -bscal * (ss * y)
            w = jnp.exp(jnp.zeros((LANES,), jnp.float32) + arg)
            for k in range(zs.shape[1] // LANES):
                zs[e, pl.ds(k * LANES, LANES)] = regs[k] * w
            plsc.store_scatter(exv, [jnp.zeros((LANES,), jnp.int32) + e], w,
                               mask=lane0)
            return carry2

        lax.fori_loop(0, B, edge_body, 0, unroll=2)

        pltpu.async_copy(zs, s_sh.at[dscat], semsc, add=True)
        pltpu.async_copy(exv, den_sh.at[dscat], semsc, add=True)

    def scatter_wait(zs, exv, dscat, semsc):
        pltpu.make_async_copy(zs, s_sh.at[dscat], semsc).wait()
        pltpu.make_async_copy(exv, den_sh.at[dscat], semsc).wait()

    idx_load(0, si0, di0, semi0)
    idx_wait(si0, di0, semi0)
    gather(si0, di0, zs0, zd0, semz0)
    idx_load(1, si1, di1, semi1)

    def pipe_body(c, carry):
        @pl.when(lax.rem(c, 2) == 0)
        def _():
            gather_wait(zs0, zd0, semz0)

            @pl.when(c + 1 < nch)
            def _():
                idx_wait(si1, di1, semi1)

                @pl.when(c >= 1)
                def _():
                    scatter_wait(zs1, exv1, dsc1, semsc1)
                gather(si1, di1, zs1, zd1, semz1)
            compute_chunk(zs0, zd0, exv0, di0, dsc0, semsc0)

            @pl.when(c + 2 < nch)
            def _():
                idx_load(c + 2, si0, di0, semi0)

        @pl.when(lax.rem(c, 2) == 1)
        def _():
            gather_wait(zs1, zd1, semz1)

            @pl.when(c + 1 < nch)
            def _():
                idx_wait(si0, di0, semi0)
                scatter_wait(zs0, exv0, dsc0, semsc0)
                gather(si0, di0, zs0, zd0, semz0)
            compute_chunk(zs1, zd1, exv1, di1, dsc1, semsc1)

            @pl.when(c + 2 < nch)
            def _():
                idx_load(c + 2, si1, di1, semi1)

        return carry

    lax.fori_loop(0, nch, pipe_body, 0)

    scatter_wait(zs1, exv1, dsc1, semsc1)
    scatter_wait(zs0, exv0, dsc0, semsc0)

    plsc.subcore_barrier()

    pltpu.sync_copy(s_sh.at[pl.ds(row0, rpt)],
                    s_out.at[cid, pl.ds(row0, rpt)])

    @pl.when(sid == NS - 1)
    def _():
        pltpu.sync_copy(s_sh.at[pl.ds(NS * rpt, rem)],
                        s_out.at[cid, pl.ds(NS * rpt, rem)])

    @pl.when(sid == 0)
    def _():
        pltpu.sync_copy(den_sh,
                        den_out.at[pl.ds(pl.multiple_of(cid * n_pad, 8),
                                         n_pad)])


def kernel(h, edge_index, W_fc, beta):
    n, in_dim = h.shape
    out_dim = W_fc.shape[0]
    e = edge_index.shape[1]

    row_blk = 1000
    z = pl.pallas_call(
        _mm_body,
        grid=(n // row_blk,),
        in_specs=[
            pl.BlockSpec((row_blk, in_dim), lambda i: (i, 0)),
            pl.BlockSpec((out_dim, in_dim), lambda i: (0, 0)),
        ],
        out_specs=pl.BlockSpec((row_blk, out_dim), lambda i: (i, 0)),
        out_shape=jax.ShapeDtypeStruct((n, out_dim), jnp.float32),
    )(h, W_fc)

    n_pad = (n + 127) // 128 * 128
    zeros2d = jnp.zeros((n, out_dim), jnp.float32)
    zeros1d = jnp.zeros((n_pad,), jnp.float32)
    beta16 = jnp.broadcast_to(beta, (LANES,))

    mesh = plsc.VectorSubcoreMesh(core_axis_name="c", subcore_axis_name="s")
    sc = pl.kernel(
        functools.partial(_sc_body, n, n_pad, e),
        out_type=(
            jax.ShapeDtypeStruct((NC, n, out_dim), jnp.float32),
            jax.ShapeDtypeStruct((NC * n_pad,), jnp.float32),
        ),
        mesh=mesh,
        compiler_params=pltpu.CompilerParams(needs_layout_passes=False),
        scratch_types=[
            pltpu.VMEM_SHARED((n, out_dim), jnp.float32),
            pltpu.VMEM_SHARED((n_pad,), jnp.float32),
            pltpu.VMEM((B,), jnp.int32),
            pltpu.VMEM((B,), jnp.int32),
            pltpu.VMEM((B,), jnp.int32),
            pltpu.VMEM((B,), jnp.int32),
            pltpu.VMEM((B,), jnp.int32),
            pltpu.VMEM((B,), jnp.int32),
            pltpu.VMEM((B, out_dim), jnp.float32),
            pltpu.VMEM((B, out_dim), jnp.float32),
            pltpu.VMEM((B, out_dim), jnp.float32),
            pltpu.VMEM((B, out_dim), jnp.float32),
            pltpu.VMEM((B,), jnp.float32),
            pltpu.VMEM((B,), jnp.float32),
            pltpu.VMEM((LANES,), jnp.float32),
            pltpu.SemaphoreType.DMA,
            pltpu.SemaphoreType.DMA,
            pltpu.SemaphoreType.DMA,
            pltpu.SemaphoreType.DMA,
            pltpu.SemaphoreType.DMA,
            pltpu.SemaphoreType.DMA,
        ],
    )
    s_part, den_part = sc(z, edge_index.reshape(-1), beta16, zeros2d, zeros1d)
    den_part = den_part.reshape(NC, n_pad)[:, :n].T

    out = pl.pallas_call(
        _norm_body,
        grid=(n // row_blk,),
        in_specs=[
            pl.BlockSpec((NC, row_blk, out_dim), lambda i: (0, i, 0)),
            pl.BlockSpec((row_blk, NC), lambda i: (i, 0)),
        ],
        out_specs=pl.BlockSpec((row_blk, out_dim), lambda i: (i, 0)),
        out_shape=jax.ShapeDtypeStruct((n, out_dim), jnp.float32),
    )(s_part, den_part)
    return out

# --- scband reference (transcript-rebuilt; emitter-appended) ---
"""Pipeline reference for scband-gatlayer-34660386078860 (READ-ONLY COPY).

The authoritative reference and input builder live on the scoring server;
editing this copy changes nothing except your own understanding.
"""

import jax, jax.numpy as jnp
import numpy as np

N = 10000
E = 320000
IN_DIM = 128
OUT_DIM = 128


def setup_inputs(seed: int = 0) -> dict:
    key = jax.random.key(seed)
    k1, k2, k3, k4 = jax.random.split(key, 4)
    h = jax.random.normal(k1, (N, IN_DIM), dtype=jnp.float32)
    edge_index = jax.random.randint(k2, (2, E), 0, N, dtype=jnp.int32)
    # learned params sized per init_kwargs
    limit = float(np.sqrt(6.0 / (IN_DIM + OUT_DIM)))
    W_fc = jax.random.uniform(k3, (OUT_DIM, IN_DIM), dtype=jnp.float32, minval=-limit, maxval=limit)
    beta = jax.random.uniform(k4, (1,), dtype=jnp.float32, minval=0.0, maxval=1.0)
    return {"h": h, "edge_index": edge_index, "W_fc": W_fc, "beta": beta}


def reference(h, edge_index, W_fc, beta):
    # model == 'RBF' branch of GATLayer.forward (dropout omitted / eval mode)
    z = h @ W_fc.T  # fc (no bias)
    src = edge_index[0]
    dst = edge_index[1]
    # edge_attention: e = -beta * ||z_src - z_dst||_2
    diff = z[src] - z[dst]
    e = -beta[0] * jnp.sqrt(jnp.sum(diff * diff, axis=1) + 1e-12)
    # reduce_func: softmax over incoming edges per dst node, then weighted sum of z_src
    m = jax.ops.segment_max(e, dst, num_segments=N)
    m = jax.lax.stop_gradient(m)
    ex = jnp.exp(e - m[dst])
    denom = jax.ops.segment_sum(ex, dst, num_segments=N)
    alpha = ex / denom[dst]
    out = jax.ops.segment_sum(alpha[:, None] * z[src], dst, num_segments=N)
    return out

if __name__ == "__main__":
    import jax
    _d = setup_inputs()
    print(jax.jit(kernel)(*tuple(_d.values())))

</pallas_src>

<mosaic_0001>
#map = affine_map<(d0, d1) -> (0, 0)>
#map1 = affine_map<(d0, d1) -> (0)>
#map2 = affine_map<(d0, d1) -> (0, 0, 0)>
module attributes {stable_mosaic.version = 14 : i64} {
  func.func @_sc_body(%arg0: i32, %arg1: i32, %arg2: memref<10000x128xf32, #tpu.memory_space<hbm>>, %arg3: memref<640000xi32, #tpu.memory_space<hbm>>, %arg4: memref<16xf32, #tpu.memory_space<hbm>>, %arg5: memref<10000x128xf32, #tpu.memory_space<hbm>>, %arg6: memref<10112xf32, #tpu.memory_space<hbm>>, %arg7: memref<2x10000x128xf32, #tpu.memory_space<hbm>>, %arg8: memref<20224xf32, #tpu.memory_space<hbm>>, %arg9: memref<10000x128xf32, #tpu.memory_space<vmem_shared>>, %arg10: memref<10112xf32, #tpu.memory_space<vmem_shared>>, %arg11: memref<80xi32, #tpu.memory_space<vmem>>, %arg12: memref<80xi32, #tpu.memory_space<vmem>>, %arg13: memref<80xi32, #tpu.memory_space<vmem>>, %arg14: memref<80xi32, #tpu.memory_space<vmem>>, %arg15: memref<80xi32, #tpu.memory_space<vmem>>, %arg16: memref<80xi32, #tpu.memory_space<vmem>>, %arg17: memref<80x128xf32, #tpu.memory_space<vmem>>, %arg18: memref<80x128xf32, #tpu.memory_space<vmem>>, %arg19: memref<80x128xf32, #tpu.memory_space<vmem>>, %arg20: memref<80x128xf32, #tpu.memory_space<vmem>>, %arg21: memref<80xf32, #tpu.memory_space<vmem>>, %arg22: memref<80xf32, #tpu.memory_space<vmem>>, %arg23: memref<16xf32, #tpu.memory_space<vmem>>, %arg24: memref<!tpu.dma_semaphore, #tpu.memory_space<semaphore_mem>>, %arg25: memref<!tpu.dma_semaphore, #tpu.memory_space<semaphore_mem>>, %arg26: memref<!tpu.dma_semaphore, #tpu.memory_space<semaphore_mem>>, %arg27: memref<!tpu.dma_semaphore, #tpu.memory_space<semaphore_mem>>, %arg28: memref<!tpu.dma_semaphore, #tpu.memory_space<semaphore_mem>>, %arg29: memref<!tpu.dma_semaphore, #tpu.memory_space<semaphore_mem>>) attributes {dimension_semantics = [#tpu.dimension_semantics<core_parallel>, #tpu.dimension_semantics<subcore_parallel>], iteration_bounds = array<i64: 2, 16>, scalar_prefetch = 0 : i64, scratch_operands = 21 : i64, tpu.core_type = #tpu.core_type<sc_vector_subcore>, window_params = [{transform_indices = #map}, {transform_indices = #map1}, {transform_indices = #map1}, {transform_indices = #map}, {transform_indices = #map1}, {transform_indices = #map2}, {transform_indices = #map1}]} {
    %mul3A = arith.constant 16 : i32
    %mul3A_0 = arith.muli %arg0, %mul3A : i32
    %add3A = arith.addi %mul3A_0, %arg1 : i32
    %mul3A_1 = arith.constant 624 : i32
    %mul3A_2 = arith.muli %arg1, %mul3A_1 : i32
    %multiple_of3A = tpu.assume_multiple %mul3A_2, 8 : i32
    "tpu.region"() ({
      %run_scoped3A = tpu.sem_alloc : memref<!tpu.dma_semaphore, #tpu.memory_space<semaphore_mem>>
      %dma_start3A_75 = arith.constant 0 : i32
      %dma_start3A_76 = tpu.memref_slice %arg9[%multiple_of3A, %dma_start3A_75] : memref<10000x128xf32, #tpu.memory_space<vmem_shared>> -> memref<624x128xf32, #tpu.memory_space<vmem_shared>>
      %dma_start3A_77 = arith.constant 0 : i32
      %dma_start3A_78 = tpu.memref_slice %arg5[%multiple_of3A, %dma_start3A_77] : memref<10000x128xf32, #tpu.memory_space<hbm>> -> memref<624x128xf32, #tpu.memory_space<hbm>>
      tpu.enqueue_dma source(%dma_start3A_78 : memref<624x128xf32, #tpu.memory_space<hbm>>) target(%dma_start3A_76 : memref<624x128xf32, #tpu.memory_space<vmem_shared>>) target_semaphore(%run_scoped3A : memref<!tpu.dma_semaphore, #tpu.memory_space<semaphore_mem>>)
      %dma_wait3A_79 = arith.constant 0 : i32
      %dma_wait3A_80 = tpu.memref_slice %arg9[%multiple_of3A, %dma_wait3A_79] : memref<10000x128xf32, #tpu.memory_space<vmem_shared>> -> memref<624x128xf32, #tpu.memory_space<vmem_shared>>
      %dma_wait3A_81 = arith.constant 0 : i32
      %dma_wait3A_82 = tpu.memref_slice %arg5[%multiple_of3A, %dma_wait3A_81] : memref<10000x128xf32, #tpu.memory_space<hbm>> -> memref<624x128xf32, #tpu.memory_space<hbm>>
      tpu.wait_dma2 semaphore(%run_scoped3A : memref<!tpu.dma_semaphore, #tpu.memory_space<semaphore_mem>>) src(%dma_wait3A_82 : memref<624x128xf32, #tpu.memory_space<hbm>>) dst(%dma_wait3A_80 : memref<624x128xf32, #tpu.memory_space<vmem_shared>>)
      tpu.yield
    }) : () -> ()
    %eq3A = arith.constant 15 : i32
    %eq3A_3 = arith.cmpi eq, %arg1, %eq3A : i32
    %convert_element_type3A = arith.extui %eq3A_3 : i1 to i32
    %cond3A = arith.constant 0 : i32
    %cond3A_4 = arith.cmpi ne, %convert_element_type3A, %cond3A : i32
    scf.if %cond3A_4 {
      "tpu.region"() ({
        %run_scoped3A = tpu.sem_alloc : memref<!tpu.dma_semaphore, #tpu.memory_space<semaphore_mem>>
        %dma_start3A_75 = arith.constant 9984 : i32
        %dma_start3A_76 = arith.constant 0 : i32
        %dma_start3A_77 = tpu.memref_slice %arg9[%dma_start3A_75, %dma_start3A_76] : memref<10000x128xf32, #tpu.memory_space<vmem_shared>> -> memref<16x128xf32, #tpu.memory_space<vmem_shared>>
        %dma_start3A_78 = arith.constant 9984 : i32
        %dma_start3A_79 = arith.constant 0 : i32
        %dma_start3A_80 = tpu.memref_slice %arg5[%dma_start3A_78, %dma_start3A_79] : memref<10000x128xf32, #tpu.memory_space<hbm>> -> memref<16x128xf32, #tpu.memory_space<hbm>>
        tpu.enqueue_dma source(%dma_start3A_80 : memref<16x128xf32, #tpu.memory_space<hbm>>) target(%dma_start3A_77 : memref<16x128xf32, #tpu.memory_space<vmem_shared>>) target_semaphore(%run_scoped3A : memref<!tpu.dma_semaphore, #tpu.memory_space<semaphore_mem>>)
        %dma_wait3A_81 = arith.constant 9984 : i32
        %dma_wait3A_82 = arith.constant 0 : i32
        %dma_wait3A_83 = tpu.memref_slice %arg9[%dma_wait3A_81, %dma_wait3A_82] : memref<10000x128xf32, #tpu.memory_space<vmem_shared>> -> memref<16x128xf32, #tpu.memory_space<vmem_shared>>
        %dma_wait3A_84 = arith.constant 9984 : i32
        %dma_wait3A_85 = arith.constant 0 : i32
        %dma_wait3A_86 = tpu.memref_slice %arg5[%dma_wait3A_84, %dma_wait3A_85] : memref<10000x128xf32, #tpu.memory_space<hbm>> -> memref<16x128xf32, #tpu.memory_space<hbm>>
        tpu.wait_dma2 semaphore(%run_scoped3A : memref<!tpu.dma_semaphore, #tpu.memory_space<semaphore_mem>>) src(%dma_wait3A_86 : memref<16x128xf32, #tpu.memory_space<hbm>>) dst(%dma_wait3A_83 : memref<16x128xf32, #tpu.memory_space<vmem_shared>>)
        tpu.yield
      }) : () -> ()
    } else {
    }
    %eq3A_5 = arith.constant 0 : i32
    %eq3A_6 = arith.cmpi eq, %arg1, %eq3A_5 : i32
    %convert_element_type3A_7 = arith.extui %eq3A_6 : i1 to i32
    %cond3A_8 = arith.constant 0 : i32
    %cond3A_9 = arith.cmpi ne, %convert_element_type3A_7, %cond3A_8 : i32
    scf.if %cond3A_9 {
      "tpu.region"() ({
        %run_scoped3A = tpu.sem_alloc : memref<!tpu.dma_semaphore, #tpu.memory_space<semaphore_mem>>
        tpu.enqueue_dma source(%arg6 : memref<10112xf32, #tpu.memory_space<hbm>>) target(%arg10 : memref<10112xf32, #tpu.memory_space<vmem_shared>>) target_semaphore(%run_scoped3A : memref<!tpu.dma_semaphore, #tpu.memory_space<semaphore_mem>>)
        tpu.wait_dma2 semaphore(%run_scoped3A : memref<!tpu.dma_semaphore, #tpu.memory_space<semaphore_mem>>) src(%arg6 : memref<10112xf32, #tpu.memory_space<hbm>>) dst(%arg10 : memref<10112xf32, #tpu.memory_space<vmem_shared>>)
        tpu.yield
      }) : () -> ()
    } else {
    }
    "tpu.region"() ({
      %run_scoped3A = tpu.sem_alloc : memref<!tpu.dma_semaphore, #tpu.memory_space<semaphore_mem>>
      tpu.enqueue_dma source(%arg4 : memref<16xf32, #tpu.memory_space<hbm>>) target(%arg23 : memref<16xf32, #tpu.memory_space<vmem>>) target_semaphore(%run_scoped3A : memref<!tpu.dma_semaphore, #tpu.memory_space<semaphore_mem>>)
      tpu.wait_dma2 semaphore(%run_scoped3A : memref<!tpu.dma_semaphore, #tpu.memory_space<semaphore_mem>>) src(%arg4 : memref<16xf32, #tpu.memory_space<hbm>>) dst(%arg23 : memref<16xf32, #tpu.memory_space<vmem>>)
      tpu.yield
    }) : () -> ()
    %get3A = arith.constant 0 : index
    %get3A_10 = tpu.vector_load %arg23[%get3A] {strides = array<i32>} : memref<16xf32, #tpu.memory_space<vmem>>, vector<16xf32>,
    %barrier3A = arith.constant 0 : index
    tpu.barrier barrier_id(%barrier3A)
    %mul3A_11 = arith.constant 10000 : i32
    %mul3A_12 = arith.muli %add3A, %mul3A_11 : i32
    %iota3A = tpu.iota {dimensions = array<i32: 0>} : vector<16xi32>
    %add3A_13 = arith.constant 0 : i32
    %add3A_14 = arith.addi %mul3A_12, %add3A_13 : i32
    %multiple_of3A_15 = tpu.assume_multiple %add3A_14, 8 : i32
    %add3A_16 = arith.constant 320000 : i32
    %add3A_17 = arith.addi %add3A_16, %mul3A_12 : i32
    %add3A_18 = arith.constant 0 : i32
    %add3A_19 = arith.addi %add3A_17, %add3A_18 : i32
    %multiple_of3A_20 = tpu.assume_multiple %add3A_19, 8 : i32
    %dma_start3A = tpu.memref_slice %arg3[%multiple_of3A_15] : memref<640000xi32, #tpu.memory_space<hbm>> -> memref<80xi32, #tpu.memory_space<hbm>>
    %dma_start3A_21 = tpu.memref_slice %arg3[%multiple_of3A_15] : memref<640000xi32, #tpu.memory_space<hbm>> -> memref<80xi32, #tpu.memory_space<hbm>>
    tpu.enqueue_dma source(%dma_start3A_21 : memref<80xi32, #tpu.memory_space<hbm>>) target(%arg11 : memref<80xi32, #tpu.memory_space<vmem>>) target_semaphore(%arg26 : memref<!tpu.dma_semaphore, #tpu.memory_space<semaphore_mem>>)
    %dma_start3A_22 = tpu.memref_slice %arg3[%multiple_of3A_20] : memref<640000xi32, #tpu.memory_space<hbm>> -> memref<80xi32, #tpu.memory_space<hbm>>
    %dma_start3A_23 = tpu.memref_slice %arg3[%multiple_of3A_20] : memref<640000xi32, #tpu.memory_space<hbm>> -> memref<80xi32, #tpu.memory_space<hbm>>
    tpu.enqueue_dma source(%dma_start3A_23 : memref<80xi32, #tpu.memory_space<hbm>>) target(%arg12 : memref<80xi32, #tpu.memory_space<vmem>>) target_semaphore(%arg26 : memref<!tpu.dma_semaphore, #tpu.memory_space<semaphore_mem>>)
    %dma_wait3A = arith.constant 0 : i32
    %dma_wait3A_24 = tpu.memref_slice %arg3[%dma_wait3A] : memref<640000xi32, #tpu.memory_space<hbm>> -> memref<80xi32, #tpu.memory_space<hbm>>
    %dma_wait3A_25 = arith.constant 0 : i32
    %dma_wait3A_26 = tpu.memref_slice %arg3[%dma_wait3A_25] : memref<640000xi32, #tpu.memory_space<hbm>> -> memref<80xi32, #tpu.memory_space<hbm>>
    tpu.wait_dma2 semaphore(%arg26 : memref<!tpu.dma_semaphore, #tpu.memory_space<semaphore_mem>>) src(%dma_wait3A_26 : memref<80xi32, #tpu.memory_space<hbm>>) dst(%arg11 : memref<80xi32, #tpu.memory_space<vmem>>)
    %dma_wait3A_27 = arith.constant 0 : i32
    %dma_wait3A_28 = tpu.memref_slice %arg3[%dma_wait3A_27] : memref<640000xi32, #tpu.memory_space<hbm>> -> memref<80xi32, #tpu.memory_space<hbm>>
    %dma_wait3A_29 = arith.constant 0 : i32
    %dma_wait3A_30 = tpu.memref_slice %arg3[%dma_wait3A_29] : memref<640000xi32, #tpu.memory_space<hbm>> -> memref<80xi32, #tpu.memory_space<hbm>>
    tpu.wait_dma2 semaphore(%arg26 : memref<!tpu.dma_semaphore, #tpu.memory_space<semaphore_mem>>) src(%dma_wait3A_30 : memref<80xi32, #tpu.memory_space<hbm>>) dst(%arg12 : memref<80xi32, #tpu.memory_space<vmem>>)
    %dma_start3A_31 = arith.constant 0 : i32
    %dma_start3A_32 = arith.constant 0 : i32
    %dma_start3A_33 = tpu.memref_slice %arg2[%dma_start3A_31, %dma_start3A_32] : memref<10000x128xf32, #tpu.memory_space<hbm>> -> memref<10000x128xf32, #tpu.memory_space<hbm>>
    tpu.enqueue_indirect_dma source(%dma_start3A_33 : memref<10000x128xf32, #tpu.memory_space<hbm>>) target(%arg17 : memref<80x128xf32, #tpu.memory_space<vmem>>) offsets(%arg11 : memref<80xi32, #tpu.memory_space<vmem>>) semaphore(%arg24 : memref<!tpu.dma_semaphore, #tpu.memory_space<semaphore_mem>>)
    %dma_start3A_34 = arith.constant 0 : i32
    %dma_start3A_35 = arith.constant 0 : i32
    %dma_start3A_36 = tpu.memref_slice %arg2[%dma_start3A_34, %dma_start3A_35] : memref<10000x128xf32, #tpu.memory_space<hbm>> -> memref<10000x128xf32, #tpu.memory_space<hbm>>
    tpu.enqueue_indirect_dma source(%dma_start3A_36 : memref<10000x128xf32, #tpu.memory_space<hbm>>) target(%arg18 : memref<80x128xf32, #tpu.memory_space<vmem>>) offsets(%arg12 : memref<80xi32, #tpu.memory_space<vmem>>) semaphore(%arg24 : memref<!tpu.dma_semaphore, #tpu.memory_space<semaphore_mem>>)
    %add3A_37 = arith.constant 80 : i32
    %add3A_38 = arith.addi %mul3A_12, %add3A_37 : i32
    %multiple_of3A_39 = tpu.assume_multiple %add3A_38, 8 : i32
    %add3A_40 = arith.constant 320000 : i32
    %add3A_41 = arith.addi %add3A_40, %mul3A_12 : i32
    %add3A_42 = arith.constant 80 : i32
    %add3A_43 = arith.addi %add3A_41, %add3A_42 : i32
    %multiple_of3A_44 = tpu.assume_multiple %add3A_43, 8 : i32
    %dma_start3A_45 = tpu.memref_slice %arg3[%multiple_of3A_39] : memref<640000xi32, #tpu.memory_space<hbm>> -> memref<80xi32, #tpu.memory_space<hbm>>
    %dma_start3A_46 = tpu.memref_slice %arg3[%multiple_of3A_39] : memref<640000xi32, #tpu.memory_space<hbm>> -> memref<80xi32, #tpu.memory_space<hbm>>
    tpu.enqueue_dma source(%dma_start3A_46 : memref<80xi32, #tpu.memory_space<hbm>>) target(%arg13 : memref<80xi32, #tpu.memory_space<vmem>>) target_semaphore(%arg27 : memref<!tpu.dma_semaphore, #tpu.memory_space<semaphore_mem>>)
    %dma_start3A_47 = tpu.memref_slice %arg3[%multiple_of3A_44] : memref<640000xi32, #tpu.memory_space<hbm>> -> memref<80xi32, #tpu.memory_space<hbm>>
    %dma_start3A_48 = tpu.memref_slice %arg3[%multiple_of3A_44] : memref<640000xi32, #tpu.memory_space<hbm>> -> memref<80xi32, #tpu.memory_space<hbm>>
    tpu.enqueue_dma source(%dma_start3A_48 : memref<80xi32, #tpu.memory_space<hbm>>) target(%arg14 : memref<80xi32, #tpu.memory_space<vmem>>) target_semaphore(%arg27 : memref<!tpu.dma_semaphore, #tpu.memory_space<semaphore_mem>>)
    %scan3A = arith.constant 0 : i32
    %scan3A_49 = arith.constant 0 : i32
    %scan3A_50 = arith.constant 125 : i32
    %scan3A_51 = arith.addi %scan3A_49, %scan3A_50 : i32
    %scan3A_52 = arith.constant 1 : i32
    scf.for %scan3A_75 = %scan3A_49 to %scan3A_51 step %scan3A_52  : i32 {
      %rem3A = arith.constant 2 : i32
      %rem3A_76 = arith.remsi %scan3A_75, %rem3A : i32
      %eq3A_77 = arith.constant 0 : i32
      %eq3A_78 = arith.cmpi eq, %rem3A_76, %eq3A_77 : i32
      %convert_element_type3A_79 = arith.extui %eq3A_78 : i1 to i32
      %cond3A_80 = arith.constant 0 : i32
      %cond3A_81 = arith.cmpi ne, %convert_element_type3A_79, %cond3A_80 : i32
      scf.if %cond3A_81 {
        %dma_wait3A_89 = arith.constant 0 : i32
        %dma_wait3A_90 = arith.constant 0 : i32
        %dma_wait3A_91 = tpu.memref_slice %arg2[%dma_wait3A_89, %dma_wait3A_90] : memref<10000x128xf32, #tpu.memory_space<hbm>> -> memref<80x128xf32, #tpu.memory_space<hbm>>
        %dma_wait3A_92 = arith.constant 0 : i32
        %dma_wait3A_93 = arith.constant 0 : i32
        %dma_wait3A_94 = tpu.memref_slice %arg2[%dma_wait3A_92, %dma_wait3A_93] : memref<10000x128xf32, #tpu.memory_space<hbm>> -> memref<80x128xf32, #tpu.memory_space<hbm>>
        tpu.wait_dma2 semaphore(%arg24 : memref<!tpu.dma_semaphore, #tpu.memory_space<semaphore_mem>>) src(%dma_wait3A_94 : memref<80x128xf32, #tpu.memory_space<hbm>>) dst(%arg17 : memref<80x128xf32, #tpu.memory_space<vmem>>)
        %dma_wait3A_95 = arith.constant 0 : i32
        %dma_wait3A_96 = arith.constant 0 : i32
        %dma_wait3A_97 = tpu.memref_slice %arg2[%dma_wait3A_95, %dma_wait3A_96] : memref<10000x128xf32, #tpu.memory_space<hbm>> -> memref<80x128xf32, #tpu.memory_space<hbm>>
        %dma_wait3A_98 = arith.constant 0 : i32
        %dma_wait3A_99 = arith.constant 0 : i32
        %dma_wait3A_100 = tpu.memref_slice %arg2[%dma_wait3A_98, %dma_wait3A_99] : memref<10000x128xf32, #tpu.memory_space<hbm>> -> memref<80x128xf32, #tpu.memory_space<hbm>>
        tpu.wait_dma2 semaphore(%arg24 : memref<!tpu.dma_semaphore, #tpu.memory_space<semaphore_mem>>) src(%dma_wait3A_100 : memref<80x128xf32, #tpu.memory_space<hbm>>) dst(%arg18 : memref<80x128xf32, #tpu.memory_space<vmem>>)
        %add3A_101 = arith.constant 1 : i32
        %add3A_102 = arith.addi %scan3A_75, %add3A_101 : i32
        %lt3A = arith.constant 125 : i32
        %lt3A_103 = arith.cmpi slt, %add3A_102, %lt3A : i32
        %convert_element_type3A_104 = arith.extui %lt3A_103 : i1 to i32
        %cond3A_105 = arith.constant 0 : i32
        %cond3A_106 = arith.cmpi ne, %convert_element_type3A_104, %cond3A_105 : i32
        scf.if %cond3A_106 {
          %dma_wait3A_147 = arith.constant 0 : i32
          %dma_wait3A_148 = tpu.memref_slice %arg3[%dma_wait3A_147] : memref<640000xi32, #tpu.memory_space<hbm>> -> memref<80xi32, #tpu.memory_space<hbm>>
          %dma_wait3A_149 = arith.constant 0 : i32
          %dma_wait3A_150 = tpu.memref_slice %arg3[%dma_wait3A_149] : memref<640000xi32, #tpu.memory_space<hbm>> -> memref<80xi32, #tpu.memory_space<hbm>>
          tpu.wait_dma2 semaphore(%arg27 : memref<!tpu.dma_semaphore, #tpu.memory_space<semaphore_mem>>) src(%dma_wait3A_150 : memref<80xi32, #tpu.memory_space<hbm>>) dst(%arg13 : memref<80xi32, #tpu.memory_space<vmem>>)
          %dma_wait3A_151 = arith.constant 0 : i32
          %dma_wait3A_152 = tpu.memref_slice %arg3[%dma_wait3A_151] : memref<640000xi32, #tpu.memory_space<hbm>> -> memref<80xi32, #tpu.memory_space<hbm>>
          %dma_wait3A_153 = arith.constant 0 : i32
          %dma_wait3A_154 = tpu.memref_slice %arg3[%dma_wait3A_153] : memref<640000xi32, #tpu.memory_space<hbm>> -> memref<80xi32, #tpu.memory_space<hbm>>
          tpu.wait_dma2 semaphore(%arg27 : memref<!tpu.dma_semaphore, #tpu.memory_space<semaphore_mem>>) src(%dma_wait3A_154 : memref<80xi32, #tpu.memory_space<hbm>>) dst(%arg14 : memref<80xi32, #tpu.memory_space<vmem>>)
          %ge3A = arith.constant 1 : i32
          %ge3A_155 = arith.cmpi sge, %scan3A_75, %ge3A : i32
          %convert_element_type3A_156 = arith.extui %ge3A_155 : i1 to i32
          %cond3A_157 = arith.constant 0 : i32
          %cond3A_158 = arith.cmpi ne, %convert_element_type3A_156, %cond3A_157 : i32
          scf.if %cond3A_158 {
            %dma_wait3A_165 = arith.constant 0 : i32
            %dma_wait3A_166 = arith.constant 0 : i32
            %dma_wait3A_167 = tpu.memref_slice %arg9[%dma_wait3A_165, %dma_wait3A_166] : memref<10000x128xf32, #tpu.memory_space<vmem_shared>> -> memref<10000x128xf32, #tpu.memory_space<vmem_shared>>
            tpu.wait_indirect_dma semaphore(%arg29 : memref<!tpu.dma_semaphore, #tpu.memory_space<semaphore_mem>>) src(%arg19 : memref<80x128xf32, #tpu.memory_space<vmem>>) dst(%dma_wait3A_167 : memref<10000x128xf32, #tpu.memory_space<vmem_shared>>)
            %dma_wait3A_168 = arith.constant 0 : i32
            %dma_wait3A_169 = tpu.memref_slice %arg10[%dma_wait3A_168] : memref<10112xf32, #tpu.memory_space<vmem_shared>> -> memref<10112xf32, #tpu.memory_space<vmem_shared>>
            tpu.wait_indirect_dma semaphore(%arg29 : memref<!tpu.dma_semaphore, #tpu.memory_space<semaphore_mem>>) src(%arg22 : memref<80xf32, #tpu.memory_space<vmem>>) dst(%dma_wait3A_169 : memref<10112xf32, #tpu.memory_space<vmem_shared>>)
          } else {
          }
          %dma_start3A_159 = arith.constant 0 : i32
          %dma_start3A_160 = arith.constant 0 : i32
          %dma_start3A_161 = tpu.memref_slice %arg2[%dma_start3A_159, %dma_start3A_160] : memref<10000x128xf32, #tpu.memory_space<hbm>> -> memref<10000x128xf32, #tpu.memory_space<hbm>>
          tpu.enqueue_indirect_dma source(%dma_start3A_161 : memref<10000x128xf32, #tpu.memory_space<hbm>>) target(%arg19 : memref<80x128xf32, #tpu.memory_space<vmem>>) offsets(%arg13 : memref<80xi32, #tpu.memory_space<vmem>>) semaphore(%arg25 : memref<!tpu.dma_semaphore, #tpu.memory_space<semaphore_mem>>)
          %dma_start3A_162 = arith.constant 0 : i32
          %dma_start3A_163 = arith.constant 0 : i32
          %dma_start3A_164 = tpu.memref_slice %arg2[%dma_start3A_162, %dma_start3A_163] : memref<10000x128xf32, #tpu.memory_space<hbm>> -> memref<10000x128xf32, #tpu.memory_space<hbm>>
          tpu.enqueue_indirect_dma source(%dma_start3A_164 : memref<10000x128xf32, #tpu.memory_space<hbm>>) target(%arg20 : memref<80x128xf32, #tpu.memory_space<vmem>>) offsets(%arg14 : memref<80xi32, #tpu.memory_space<vmem>>) semaphore(%arg25 : memref<!tpu.dma_semaphore, #tpu.memory_space<semaphore_mem>>)
        } else {
        }
        %get3A_107 = arith.constant 0 : index
        %get3A_108 = tpu.vector_load %arg12[%get3A_107] {strides = array<i32>} : memref<80xi32, #tpu.memory_space<vmem>>, vector<16xi32>,
        %swap3A = arith.constant 0 : index
        %swap3A_109 = tpu.vector_load %arg15[%swap3A] {strides = array<i32>} : memref<80xi32, #tpu.memory_space<vmem>>, vector<16xi32>,
        tpu.vector_store %arg15[%swap3A], %get3A_108 {strides = array<i32>} : memref<80xi32, #tpu.memory_space<vmem>>, vector<16xi32>,
        %get3A_110 = arith.constant 16 : index
        %get3A_111 = tpu.vector_load %arg12[%get3A_110] {strides = array<i32>} : memref<80xi32, #tpu.memory_space<vmem>>, vector<16xi32>,
        %swap3A_112 = arith.constant 16 : index
        %swap3A_113 = tpu.vector_load %arg15[%swap3A_112] {strides = array<i32>} : memref<80xi32, #tpu.memory_space<vmem>>, vector<16xi32>,
        tpu.vector_store %arg15[%swap3A_112], %get3A_111 {strides = array<i32>} : memref<80xi32, #tpu.memory_space<vmem>>, vector<16xi32>,
        %get3A_114 = arith.constant 32 : index
        %get3A_115 = tpu.vector_load %arg12[%get3A_114] {strides = array<i32>} : memref<80xi32, #tpu.memory_space<vmem>>, vector<16xi32>,
        %swap3A_116 = arith.constant 32 : index
        %swap3A_117 = tpu.vector_load %arg15[%swap3A_116] {strides = array<i32>} : memref<80xi32, #tpu.memory_space<vmem>>, vector<16xi32>,
        tpu.vector_store %arg15[%swap3A_116], %get3A_115 {strides = array<i32>} : memref<80xi32, #tpu.memory_space<vmem>>, vector<16xi32>,
        %get3A_118 = arith.constant 48 : index
        %get3A_119 = tpu.vector_load %arg12[%get3A_118] {strides = array<i32>} : memref<80xi32, #tpu.memory_space<vmem>>, vector<16xi32>,
        %swap3A_120 = arith.constant 48 : index
        %swap3A_121 = tpu.vector_load %arg15[%swap3A_120] {strides = array<i32>} : memref<80xi32, #tpu.memory_space<vmem>>, vector<16xi32>,
        tpu.vector_store %arg15[%swap3A_120], %get3A_119 {strides = array<i32>} : memref<80xi32, #tpu.memory_space<vmem>>, vector<16xi32>,
        %get3A_122 = arith.constant 64 : index
        %get3A_123 = tpu.vector_load %arg12[%get3A_122] {strides = array<i32>} : memref<80xi32, #tpu.memory_space<vmem>>, vector<16xi32>,
        %swap3A_124 = arith.constant 64 : index
        %swap3A_125 = tpu.vector_load %arg15[%swap3A_124] {strides = array<i32>} : memref<80xi32, #tpu.memory_space<vmem>>, vector<16xi32>,
        tpu.vector_store %arg15[%swap3A_124], %get3A_123 {strides = array<i32>} : memref<80xi32, #tpu.memory_space<vmem>>, vector<16xi32>,
        %slice3A = vector.extract_strided_slice %get3A_10 {offsets = [0], sizes = [1], strides = [1]} : vector<16xf32> to vector<1xf32>
        %squeeze3A = vector.extract %slice3A[0] : f32 from vector<1xf32>
        %eq3A_126 = arith.constant 0 : i32
        %eq3A_127 = vector.broadcast %eq3A_126 : i32 to vector<16xi32>
        %eq3A_128 = arith.cmpi eq, %iota3A, %eq3A_127 : vector<16xi32>
        %scan3A_129 = arith.constant 0 : i32
        %scan3A_130 = arith.constant 0 : i32
        %scan3A_131 = arith.constant 80 : i32
        %scan3A_132 = arith.addi %scan3A_130, %scan3A_131 : i32
        %scan3A_133 = arith.constant 2 : i32
        scf.for %scan3A_147 = %scan3A_130 to %scan3A_132 step %scan3A_133  : i32 {
          %broadcast_in_dim3A = arith.constant 0.000000e+00 : f32
          %broadcast_in_dim3A_148 = vector.broadcast %broadcast_in_dim3A : f32 to vector<16xf32>
          %get3A_149 = arith.index_cast %scan3A_147 : i32 to index
          %get3A_150 = arith.constant 0 : index
          %get3A_151 = tpu.vector_load %arg17[%get3A_149, %get3A_150] {strides = array<i32>} : memref<80x128xf32, #tpu.memory_space<vmem>>, vector<16xf32>,
          %get3A_152 = arith.index_cast %scan3A_147 : i32 to index
          %get3A_153 = arith.constant 0 : index
          %get3A_154 = tpu.vector_load %arg18[%get3A_152, %get3A_153] {strides = array<i32>} : memref<80x128xf32, #tpu.memory_space<vmem>>, vector<16xf32>,
          %sub3A = arith.subf %get3A_151, %get3A_154 : vector<16xf32>
          %mul3A_155 = arith.mulf %sub3A, %sub3A : vector<16xf32>
          %add3A_156 = arith.addf %broadcast_in_dim3A_148, %mul3A_155 : vector<16xf32>
          %get3A_157 = arith.index_cast %scan3A_147 : i32 to index
          %get3A_158 = arith.constant 16 : index
          %get3A_159 = tpu.vector_load %arg17[%get3A_157, %get3A_158] {strides = array<i32>} : memref<80x128xf32, #tpu.memory_space<vmem>>, vector<16xf32>,
          %get3A_160 = arith.index_cast %scan3A_147 : i32 to index
          %get3A_161 = arith.constant 16 : index
          %get3A_162 = tpu.vector_load %arg18[%get3A_160, %get3A_161] {strides = array<i32>} : memref<80x128xf32, #tpu.memory_space<vmem>>, vector<16xf32>,
          %sub3A_163 = arith.subf %get3A_159, %get3A_162 : vector<16xf32>
          %mul3A_164 = arith.mulf %sub3A_163, %sub3A_163 : vector<16xf32>
          %add3A_165 = arith.addf %add3A_156, %mul3A_164 : vector<16xf32>
          %get3A_166 = arith.index_cast %scan3A_147 : i32 to index
          %get3A_167 = arith.constant 32 : index
          %get3A_168 = tpu.vector_load %arg17[%get3A_166, %get3A_167] {strides = array<i32>} : memref<80x128xf32, #tpu.memory_space<vmem>>, vector<16xf32>,
          %get3A_169 = arith.index_cast %scan3A_147 : i32 to index
          %get3A_170 = arith.constant 32 : index
          %get3A_171 = tpu.vector_load %arg18[%get3A_169, %get3A_170] {strides = array<i32>} : memref<80x128xf32, #tpu.memory_space<vmem>>, vector<16xf32>,
          %sub3A_172 = arith.subf %get3A_168, %get3A_171 : vector<16xf32>
          %mul3A_173 = arith.mulf %sub3A_172, %sub3A_172 : vector<16xf32>
          %add3A_174 = arith.addf %add3A_165, %mul3A_173 : vector<16xf32>
          %get3A_175 = arith.index_cast %scan3A_147 : i32 to index
          %get3A_176 = arith.constant 48 : index
          %get3A_177 = tpu.vector_load %arg17[%get3A_175, %get3A_176] {strides = array<i32>} : memref<80x128xf32, #tpu.memory_space<vmem>>, vector<16xf32>,
          %get3A_178 = arith.index_cast %scan3A_147 : i32 to index
          %get3A_179 = arith.constant 48 : index
          %get3A_180 = tpu.vector_load %arg18[%get3A_178, %get3A_179] {strides = array<i32>} : memref<80x128xf32, #tpu.memory_space<vmem>>, vector<16xf32>,
          %sub3A_181 = arith.subf %get3A_177, %get3A_180 : vector<16xf32>
          %mul3A_182 = arith.mulf %sub3A_181, %sub3A_181 : vector<16xf32>
          %add3A_183 = arith.addf %add3A_174, %mul3A_182 : vector<16xf32>
          %get3A_184 = arith.index_cast %scan3A_147 : i32 to index
          %get3A_185 = arith.constant 64 : index
          %get3A_186 = tpu.vector_load %arg17[%get3A_184, %get3A_185] {strides = array<i32>} : memref<80x128xf32, #tpu.memory_space<vmem>>, vector<16xf32>,
          %get3A_187 = arith.index_cast %scan3A_147 : i32 to index
          %get3A_188 = arith.constant 64 : index
          %get3A_189 = tpu.vector_load %arg18[%get3A_187, %get3A_188] {strides = array<i32>} : memref<80x128xf32, #tpu.memory_space<vmem>>, vector<16xf32>,
          %sub3A_190 = arith.subf %get3A_186, %get3A_189 : vector<16xf32>
          %mul3A_191 = arith.mulf %sub3A_190, %sub3A_190 : vector<16xf32>
          %add3A_192 = arith.addf %add3A_183, %mul3A_191 : vector<16xf32>
          %get3A_193 = arith.index_cast %scan3A_147 : i32 to index
          %get3A_194 = arith.constant 80 : index
          %get3A_195 = tpu.vector_load %arg17[%get3A_193, %get3A_194] {strides = array<i32>} : memref<80x128xf32, #tpu.memory_space<vmem>>, vector<16xf32>,
          %get3A_196 = arith.index_cast %scan3A_147 : i32 to index
          %get3A_197 = arith.constant 80 : index
          %get3A_198 = tpu.vector_load %arg18[%get3A_196, %get3A_197] {strides = array<i32>} : memref<80x128xf32, #tpu.memory_space<vmem>>, vector<16xf32>,
          %sub3A_199 = arith.subf %get3A_195, %get3A_198 : vector<16xf32>
          %mul3A_200 = arith.mulf %sub3A_199, %sub3A_199 : vector<16xf32>
          %add3A_201 = arith.addf %add3A_192, %mul3A_200 : vector<16xf32>
          %get3A_202 = arith.index_cast %scan3A_147 : i32 to index
          %get3A_203 = arith.constant 96 : index
          %get3A_204 = tpu.vector_load %arg17[%get3A_202, %get3A_203] {strides = array<i32>} : memref<80x128xf32, #tpu.memory_space<vmem>>, vector<16xf32>,
          %get3A_205 = arith.index_cast %scan3A_147 : i32 to index
          %get3A_206 = arith.constant 96 : index
          %get3A_207 = tpu.vector_load %arg18[%get3A_205, %get3A_206] {strides = array<i32>} : memref<80x128xf32, #tpu.memory_space<vmem>>, vector<16xf32>,
          %sub3A_208 = arith.subf %get3A_204, %get3A_207 : vector<16xf32>
          %mul3A_209 = arith.mulf %sub3A_208, %sub3A_208 : vector<16xf32>
          %add3A_210 = arith.addf %add3A_201, %mul3A_209 : vector<16xf32>
          %get3A_211 = arith.index_cast %scan3A_147 : i32 to index
          %get3A_212 = arith.constant 112 : index
          %get3A_213 = tpu.vector_load %arg17[%get3A_211, %get3A_212] {strides = array<i32>} : memref<80x128xf32, #tpu.memory_space<vmem>>, vector<16xf32>,
          %get3A_214 = arith.index_cast %scan3A_147 : i32 to index
          %get3A_215 = arith.constant 112 : index
          %get3A_216 = tpu.vector_load %arg18[%get3A_214, %get3A_215] {strides = array<i32>} : memref<80x128xf32, #tpu.memory_space<vmem>>, vector<16xf32>,
          %sub3A_217 = arith.subf %get3A_213, %get3A_216 : vector<16xf32>
          %mul3A_218 = arith.mulf %sub3A_217, %sub3A_217 : vector<16xf32>
          %add3A_219 = arith.addf %add3A_210, %mul3A_218 : vector<16xf32>
          %reduce_sum3A = arith.constant true
          %reduce_sum3A_220 = vector.broadcast %reduce_sum3A : i1 to vector<16xi1>
          %reduce_sum3A_221 = tpu.scan <sum>, %add3A_219 masked %reduce_sum3A_220 : vector<16xf32>, vector<16xi1> -> vector<16xf32>
          %reduce_sum3A_222 = vector.extract %reduce_sum3A_221[15] : f32 from vector<16xf32>
          %add3A_223 = arith.constant 9.99999996E-13 : f32
          %add3A_224 = arith.addf %reduce_sum3A_222, %add3A_223 : f32
          %bitcast_convert_type3A = arith.bitcast %add3A_224 : f32 to i32
          %shift_right_arithmetic3A = arith.constant 1 : i32
          %shift_right_arithmetic3A_225 = arith.shrsi %bitcast_convert_type3A, %shift_right_arithmetic3A : i32
          %sub3A_226 = arith.constant 1597463007 : i32
          %sub3A_227 = arith.subi %sub3A_226, %shift_right_arithmetic3A_225 : i32
          %bitcast_convert_type3A_228 = arith.bitcast %sub3A_227 : i32 to f32
          %mul3A_229 = arith.constant 5.000000e-01 : f32
          %mul3A_230 = arith.mulf %mul3A_229, %add3A_224 : f32
          %mul3A_231 = arith.mulf %mul3A_230, %bitcast_convert_type3A_228 : f32
          %mul3A_232 = arith.mulf %mul3A_231, %bitcast_convert_type3A_228 : f32
          %sub3A_233 = arith.constant 1.500000e+00 : f32
          %sub3A_234 = arith.subf %sub3A_233, %mul3A_232 : f32
          %mul3A_235 = arith.mulf %bitcast_convert_type3A_228, %sub3A_234 : f32
          %mul3A_236 = arith.constant 5.000000e-01 : f32
          %mul3A_237 = arith.mulf %mul3A_236, %add3A_224 : f32
          %mul3A_238 = arith.mulf %mul3A_237, %mul3A_235 : f32
          %mul3A_239 = arith.mulf %mul3A_238, %mul3A_235 : f32
          %sub3A_240 = arith.constant 1.500000e+00 : f32
          %sub3A_241 = arith.subf %sub3A_240, %mul3A_239 : f32
          %mul3A_242 = arith.mulf %mul3A_235, %sub3A_241 : f32
          %mul3A_243 = arith.constant 5.000000e-01 : f32
          %mul3A_244 = arith.mulf %mul3A_243, %add3A_224 : f32
          %mul3A_245 = arith.mulf %mul3A_244, %mul3A_242 : f32
          %mul3A_246 = arith.mulf %mul3A_245, %mul3A_242 : f32
          %sub3A_247 = arith.constant 1.500000e+00 : f32
          %sub3A_248 = arith.subf %sub3A_247, %mul3A_246 : f32
          %mul3A_249 = arith.mulf %mul3A_242, %sub3A_248 : f32
          %neg3A = arith.constant 0.000000e+00 : f32
          %neg3A_250 = arith.subf %neg3A, %squeeze3A : f32
          %mul3A_251 = arith.mulf %add3A_224, %mul3A_249 : f32
          %mul3A_252 = arith.mulf %neg3A_250, %mul3A_251 : f32
          %broadcast_in_dim3A_253 = arith.constant 0.000000e+00 : f32
          %broadcast_in_dim3A_254 = vector.broadcast %broadcast_in_dim3A_253 : f32 to vector<16xf32>
          %add3A_255 = vector.broadcast %mul3A_252 : f32 to vector<16xf32>
          %add3A_256 = arith.addf %broadcast_in_dim3A_254, %add3A_255 : vector<16xf32>
          %exp3A = math.exp %add3A_256 : vector<16xf32>
          %mul3A_257 = arith.mulf %get3A_151, %exp3A : vector<16xf32>
          %swap3A_258 = arith.index_cast %scan3A_147 : i32 to index
          %swap3A_259 = arith.constant 0 : index
          %swap3A_260 = tpu.vector_load %arg17[%swap3A_258, %swap3A_259] {strides = array<i32>} : memref<80x128xf32, #tpu.memory_space<vmem>>, vector<16xf32>,
          tpu.vector_store %arg17[%swap3A_258, %swap3A_259], %mul3A_257 {strides = array<i32>} : memref<80x128xf32, #tpu.memory_space<vmem>>, vector<16xf32>,
          %mul3A_261 = arith.mulf %get3A_159, %exp3A : vector<16xf32>
          %swap3A_262 = arith.index_cast %scan3A_147 : i32 to index
          %swap3A_263 = arith.constant 16 : index
          %swap3A_264 = tpu.vector_load %arg17[%swap3A_262, %swap3A_263] {strides = array<i32>} : memref<80x128xf32, #tpu.memory_space<vmem>>, vector<16xf32>,
          tpu.vector_store %arg17[%swap3A_262, %swap3A_263], %mul3A_261 {strides = array<i32>} : memref<80x128xf32, #tpu.memory_space<vmem>>, vector<16xf32>,
          %mul3A_265 = arith.mulf %get3A_168, %exp3A : vector<16xf32>
          %swap3A_266 = arith.index_cast %scan3A_147 : i32 to index
          %swap3A_267 = arith.constant 32 : index
          %swap3A_268 = tpu.vector_load %arg17[%swap3A_266, %swap3A_267] {strides = array<i32>} : memref<80x128xf32, #tpu.memory_space<vmem>>, vector<16xf32>,
          tpu.vector_store %arg17[%swap3A_266, %swap3A_267], %mul3A_265 {strides = array<i32>} : memref<80x128xf32, #tpu.memory_space<vmem>>, vector<16xf32>,
          %mul3A_269 = arith.mulf %get3A_177, %exp3A : vector<16xf32>
          %swap3A_270 = arith.index_cast %scan3A_147 : i32 to index
          %swap3A_271 = arith.constant 48 : index
          %swap3A_272 = tpu.vector_load %arg17[%swap3A_270, %swap3A_271] {strides = array<i32>} : memref<80x128xf32, #tpu.memory_space<vmem>>, vector<16xf32>,
          tpu.vector_store %arg17[%swap3A_270, %swap3A_271], %mul3A_269 {strides = array<i32>} : memref<80x128xf32, #tpu.memory_space<vmem>>, vector<16xf32>,
          %mul3A_273 = arith.mulf %get3A_186, %exp3A : vector<16xf32>
          %swap3A_274 = arith.index_cast %scan3A_147 : i32 to index
          %swap3A_275 = arith.constant 64 : index
          %swap3A_276 = tpu.vector_load %arg17[%swap3A_274, %swap3A_275] {strides = array<i32>} : memref<80x128xf32, #tpu.memory_space<vmem>>, vector<16xf32>,
          tpu.vector_store %arg17[%swap3A_274, %swap3A_275], %mul3A_273 {strides = array<i32>} : memref<80x128xf32, #tpu.memory_space<vmem>>, vector<16xf32>,
          %mul3A_277 = arith.mulf %get3A_195, %exp3A : vector<16xf32>
          %swap3A_278 = arith.index_cast %scan3A_147 : i32 to index
          %swap3A_279 = arith.constant 80 : index
          %swap3A_280 = tpu.vector_load %arg17[%swap3A_278, %swap3A_279] {strides = array<i32>} : memref<80x128xf32, #tpu.memory_space<vmem>>, vector<16xf32>,
          tpu.vector_store %arg17[%swap3A_278, %swap3A_279], %mul3A_277 {strides = array<i32>} : memref<80x128xf32, #tpu.memory_space<vmem>>, vector<16xf32>,
          %mul3A_281 = arith.mulf %get3A_204, %exp3A : vector<16xf32>
          %swap3A_282 = arith.index_cast %scan3A_147 : i32 to index
          %swap3A_283 = arith.constant 96 : index
          %swap3A_284 = tpu.vector_load %arg17[%swap3A_282, %swap3A_283] {strides = array<i32>} : memref<80x128xf32, #tpu.memory_space<vmem>>, vector<16xf32>,
          tpu.vector_store %arg17[%swap3A_282, %swap3A_283], %mul3A_281 {strides = array<i32>} : memref<80x128xf32, #tpu.memory_space<vmem>>, vector<16xf32>,
          %mul3A_285 = arith.mulf %get3A_213, %exp3A : vector<16xf32>
          %swap3A_286 = arith.index_cast %scan3A_147 : i32 to index
          %swap3A_287 = arith.constant 112 : index
          %swap3A_288 = tpu.vector_load %arg17[%swap3A_286, %swap3A_287] {strides = array<i32>} : memref<80x128xf32, #tpu.memory_space<vmem>>, vector<16xf32>,
          tpu.vector_store %arg17[%swap3A_286, %swap3A_287], %mul3A_285 {strides = array<i32>} : memref<80x128xf32, #tpu.memory_space<vmem>>, vector<16xf32>,
          %broadcast_in_dim3A_289 = arith.constant 0 : i32
          %broadcast_in_dim3A_290 = vector.broadcast %broadcast_in_dim3A_289 : i32 to vector<16xi32>
          %add3A_291 = vector.broadcast %scan3A_147 : i32 to vector<16xi32>
          %add3A_292 = arith.addi %broadcast_in_dim3A_290, %add3A_291 : vector<16xi32>
          tpu.vector_store_idx %arg21[%add3A_292], %exp3A masked %eq3A_128 : memref<80xf32, #tpu.memory_space<vmem>>[vector<16xi32>], vector<16xf32>, vector<16xi1>
          %scan3A_293 = arith.constant 1 : i32
          %scan3A_294 = arith.addi %scan3A_147, %scan3A_293 : i32
          %broadcast_in_dim3A_295 = arith.constant 0.000000e+00 : f32
          %broadcast_in_dim3A_296 = vector.broadcast %broadcast_in_dim3A_295 : f32 to vector<16xf32>
          %get3A_297 = arith.index_cast %scan3A_294 : i32 to index
          %get3A_298 = arith.constant 0 : index
          %get3A_299 = tpu.vector_load %arg17[%get3A_297, %get3A_298] {strides = array<i32>} : memref<80x128xf32, #tpu.memory_space<vmem>>, vector<16xf32>,
          %get3A_300 = arith.index_cast %scan3A_294 : i32 to index
          %get3A_301 = arith.constant 0 : index
          %get3A_302 = tpu.vector_load %arg18[%get3A_300, %get3A_301] {strides = array<i32>} : memref<80x128xf32, #tpu.memory_space<vmem>>, vector<16xf32>,
          %sub3A_303 = arith.subf %get3A_299, %get3A_302 : vector<16xf32>
          %mul3A_304 = arith.mulf %sub3A_303, %sub3A_303 : vector<16xf32>
          %add3A_305 = arith.addf %broadcast_in_dim3A_296, %mul3A_304 : vector<16xf32>
          %get3A_306 = arith.index_cast %scan3A_294 : i32 to index
          %get3A_307 = arith.constant 16 : index
          %get3A_308 = tpu.vector_load %arg17[%get3A_306, %get3A_307] {strides = array<i32>} : memref<80x128xf32, #tpu.memory_space<vmem>>, vector<16xf32>,
          %get3A_309 = arith.index_cast %scan3A_294 : i32 to index
          %get3A_310 = arith.constant 16 : index
          %get3A_311 = tpu.vector_load %arg18[%get3A_309, %get3A_310] {strides = array<i32>} : memref<80x128xf32, #tpu.memory_space<vmem>>, vector<16xf32>,
          %sub3A_312 = arith.subf %get3A_308, %get3A_311 : vector<16xf32>
          %mul3A_313 = arith.mulf %sub3A_312, %sub3A_312 : vector<16xf32>
          %add3A_314 = arith.addf %add3A_305, %mul3A_313 : vector<16xf32>
          %get3A_315 = arith.index_cast %scan3A_294 : i32 to index
          %get3A_316 = arith.constant 32 : index
          %get3A_317 = tpu.vector_load %arg17[%get3A_315, %get3A_316] {strides = array<i32>} : memref<80x128xf32, #tpu.memory_space<vmem>>, vector<16xf32>,
          %get3A_318 = arith.index_cast %scan3A_294 : i32 to index
          %get3A_319 = arith.constant 32 : index
          %get3A_320 = tpu.vector_load %arg18[%get3A_318, %get3A_319] {strides = array<i32>} : memref<80x128xf32, #tpu.memory_space<vmem>>, vector<16xf32>,
          %sub3A_321 = arith.subf %get3A_317, %get3A_320 : vector<16xf32>
          %mul3A_322 = arith.mulf %sub3A_321, %sub3A_321 : vector<16xf32>
          %add3A_323 = arith.addf %add3A_314, %mul3A_322 : vector<16xf32>
          %get3A_324 = arith.index_cast %scan3A_294 : i32 to index
          %get3A_325 = arith.constant 48 : index
          %get3A_326 = tpu.vector_load %arg17[%get3A_324, %get3A_325] {strides = array<i32>} : memref<80x128xf32, #tpu.memory_space<vmem>>, vector<16xf32>,
          %get3A_327 = arith.index_cast %scan3A_294 : i32 to index
          %get3A_328 = arith.constant 48 : index
          %get3A_329 = tpu.vector_load %arg18[%get3A_327, %get3A_328] {strides = array<i32>} : memref<80x128xf32, #tpu.memory_space<vmem>>, vector<16xf32>,
          %sub3A_330 = arith.subf %get3A_326, %get3A_329 : vector<16xf32>
          %mul3A_331 = arith.mulf %sub3A_330, %sub3A_330 : vector<16xf32>
          %add3A_332 = arith.addf %add3A_323, %mul3A_331 : vector<16xf32>
          %get3A_333 = arith.index_cast %scan3A_294 : i32 to index
          %get3A_334 = arith.constant 64 : index
          %get3A_335 = tpu.vector_load %arg17[%get3A_333, %get3A_334] {strides = array<i32>} : memref<80x128xf32, #tpu.memory_space<vmem>>, vector<16xf32>,
          %get3A_336 = arith.index_cast %scan3A_294 : i32 to index
          %get3A_337 = arith.constant 64 : index
          %get3A_338 = tpu.vector_load %arg18[%get3A_336, %get3A_337] {strides = array<i32>} : memref<80x128xf32, #tpu.memory_space<vmem>>, vector<16xf32>,
          %sub3A_339 = arith.subf %get3A_335, %get3A_338 : vector<16xf32>
          %mul3A_340 = arith.mulf %sub3A_339, %sub3A_339 : vector<16xf32>
          %add3A_341 = arith.addf %add3A_332, %mul3A_340 : vector<16xf32>
          %get3A_342 = arith.index_cast %scan3A_294 : i32 to index
          %get3A_343 = arith.constant 80 : index
          %get3A_344 = tpu.vector_load %arg17[%get3A_342, %get3A_343] {strides = array<i32>} : memref<80x128xf32, #tpu.memory_space<vmem>>, vector<16xf32>,
          %get3A_345 = arith.index_cast %scan3A_294 : i32 to index
          %get3A_346 = arith.constant 80 : index
          %get3A_347 = tpu.vector_load %arg18[%get3A_345, %get3A_346] {strides = array<i32>} : memref<80x128xf32, #tpu.memory_space<vmem>>, vector<16xf32>,
          %sub3A_348 = arith.subf %get3A_344, %get3A_347 : vector<16xf32>
          %mul3A_349 = arith.mulf %sub3A_348, %sub3A_348 : vector<16xf32>
          %add3A_350 = arith.addf %add3A_341, %mul3A_349 : vector<16xf32>
          %get3A_351 = arith.index_cast %scan3A_294 : i32 to index
          %get3A_352 = arith.constant 96 : index
          %get3A_353 = tpu.vector_load %arg17[%get3A_351, %get3A_352] {strides = array<i32>} : memref<80x128xf32, #tpu.memory_space<vmem>>, vector<16xf32>,
          %get3A_354 = arith.index_cast %scan3A_294 : i32 to index
          %get3A_355 = arith.constant 96 : index
          %get3A_356 = tpu.vector_load %arg18[%get3A_354, %get3A_355] {strides = array<i32>} : memref<80x128xf32, #tpu.memory_space<vmem>>, vector<16xf32>,
          %sub3A_357 = arith.subf %get3A_353, %get3A_356 : vector<16xf32>
          %mul3A_358 = arith.mulf %sub3A_357, %sub3A_357 : vector<16xf32>
          %add3A_359 = arith.addf %add3A_350, %mul3A_358 : vector<16xf32>
          %get3A_360 = arith.index_cast %scan3A_294 : i32 to index
          %get3A_361 = arith.constant 112 : index
          %get3A_362 = tpu.vector_load %arg17[%get3A_360, %get3A_361] {strides = array<i32>} : memref<80x128xf32, #tpu.memory_space<vmem>>, vector<16xf32>,
          %get3A_363 = arith.index_cast %scan3A_294 : i32 to index
          %get3A_364 = arith.constant 112 : index
          %get3A_365 = tpu.vector_load %arg18[%get3A_363, %get3A_364] {strides = array<i32>} : memref<80x128xf32, #tpu.memory_space<vmem>>, vector<16xf32>,
          %sub3A_366 = arith.subf %get3A_362, %get3A_365 : vector<16xf32>
          %mul3A_367 = arith.mulf %sub3A_366, %sub3A_366 : vector<16xf32>
          %add3A_368 = arith.addf %add3A_359, %mul3A_367 : vector<16xf32>
          %reduce_sum3A_369 = arith.constant true
          %reduce_sum3A_370 = vector.broadcast %reduce_sum3A_369 : i1 to vector<16xi1>
          %reduce_sum3A_371 = tpu.scan <sum>, %add3A_368 masked %reduce_sum3A_370 : vector<16xf32>, vector<16xi1> -> vector<16xf32>
          %reduce_sum3A_372 = vector.extract %reduce_sum3A_371[15] : f32 from vector<16xf32>
          %add3A_373 = arith.constant 9.99999996E-13 : f32
          %add3A_374 = arith.addf %reduce_sum3A_372, %add3A_373 : f32
          %bitcast_convert_type3A_375 = arith.bitcast %add3A_374 : f32 to i32
          %shift_right_arithmetic3A_376 = arith.constant 1 : i32
          %shift_right_arithmetic3A_377 = arith.shrsi %bitcast_convert_type3A_375, %shift_right_arithmetic3A_376 : i32
          %sub3A_378 = arith.constant 1597463007 : i32
          %sub3A_379 = arith.subi %sub3A_378, %shift_right_arithmetic3A_377 : i32
          %bitcast_convert_type3A_380 = arith.bitcast %sub3A_379 : i32 to f32
          %mul3A_381 = arith.constant 5.000000e-01 : f32
          %mul3A_382 = arith.mulf %mul3A_381, %add3A_374 : f32
          %mul3A_383 = arith.mulf %mul3A_382, %bitcast_convert_type3A_380 : f32
          %mul3A_384 = arith.mulf %mul3A_383, %bitcast_convert_type3A_380 : f32
          %sub3A_385 = arith.constant 1.500000e+00 : f32
          %sub3A_386 = arith.subf %sub3A_385, %mul3A_384 : f32
          %mul3A_387 = arith.mulf %bitcast_convert_type3A_380, %sub3A_386 : f32
          %mul3A_388 = arith.constant 5.000000e-01 : f32
          %mul3A_389 = arith.mulf %mul3A_388, %add3A_374 : f32
          %mul3A_390 = arith.mulf %mul3A_389, %mul3A_387 : f32
          %mul3A_391 = arith.mulf %mul3A_390, %mul3A_387 : f32
          %sub3A_392 = arith.constant 1.500000e+00 : f32
          %sub3A_393 = arith.subf %sub3A_392, %mul3A_391 : f32
          %mul3A_394 = arith.mulf %mul3A_387, %sub3A_393 : f32
          %mul3A_395 = arith.constant 5.000000e-01 : f32
          %mul3A_396 = arith.mulf %mul3A_395, %add3A_374 : f32
          %mul3A_397 = arith.mulf %mul3A_396, %mul3A_394 : f32
          %mul3A_398 = arith.mulf %mul3A_397, %mul3A_394 : f32
          %sub3A_399 = arith.constant 1.500000e+00 : f32
          %sub3A_400 = arith.subf %sub3A_399, %mul3A_398 : f32
          %mul3A_401 = arith.mulf %mul3A_394, %sub3A_400 : f32
          %neg3A_402 = arith.constant 0.000000e+00 : f32
          %neg3A_403 = arith.subf %neg3A_402, %squeeze3A : f32
          %mul3A_404 = arith.mulf %add3A_374, %mul3A_401 : f32
          %mul3A_405 = arith.mulf %neg3A_403, %mul3A_404 : f32
          %broadcast_in_dim3A_406 = arith.constant 0.000000e+00 : f32
          %broadcast_in_dim3A_407 = vector.broadcast %broadcast_in_dim3A_406 : f32 to vector<16xf32>
          %add3A_408 = vector.broadcast %mul3A_405 : f32 to vector<16xf32>
          %add3A_409 = arith.addf %broadcast_in_dim3A_407, %add3A_408 : vector<16xf32>
          %exp3A_410 = math.exp %add3A_409 : vector<16xf32>
          %mul3A_411 = arith.mulf %get3A_299, %exp3A_410 : vector<16xf32>
          %swap3A_412 = arith.index_cast %scan3A_294 : i32 to index
          %swap3A_413 = arith.constant 0 : index
          %swap3A_414 = tpu.vector_load %arg17[%swap3A_412, %swap3A_413] {strides = array<i32>} : memref<80x128xf32, #tpu.memory_space<vmem>>, vector<16xf32>,
          tpu.vector_store %arg17[%swap3A_412, %swap3A_413], %mul3A_411 {strides = array<i32>} : memref<80x128xf32, #tpu.memory_space<vmem>>, vector<16xf32>,
          %mul3A_415 = arith.mulf %get3A_308, %exp3A_410 : vector<16xf32>
          %swap3A_416 = arith.index_cast %scan3A_294 : i32 to index
          %swap3A_417 = arith.constant 16 : index
          %swap3A_418 = tpu.vector_load %arg17[%swap3A_416, %swap3A_417] {strides = array<i32>} : memref<80x128xf32, #tpu.memory_space<vmem>>, vector<16xf32>,
          tpu.vector_store %arg17[%swap3A_416, %swap3A_417], %mul3A_415 {strides = array<i32>} : memref<80x128xf32, #tpu.memory_space<vmem>>, vector<16xf32>,
          %mul3A_419 = arith.mulf %get3A_317, %exp3A_410 : vector<16xf32>
          %swap3A_420 = arith.index_cast %scan3A_294 : i32 to index
          %swap3A_421 = arith.constant 32 : index
          %swap3A_422 = tpu.vector_load %arg17[%swap3A_420, %swap3A_421] {strides = array<i32>} : memref<80x128xf32, #tpu.memory_space<vmem>>, vector<16xf32>,
          tpu.vector_store %arg17[%swap3A_420, %swap3A_421], %mul3A_419 {strides = array<i32>} : memref<80x128xf32, #tpu.memory_space<vmem>>, vector<16xf32>,
          %mul3A_423 = arith.mulf %get3A_326, %exp3A_410 : vector<16xf32>
          %swap3A_424 = arith.index_cast %scan3A_294 : i32 to index
          %swap3A_425 = arith.constant 48 : index
          %swap3A_426 = tpu.vector_load %arg17[%swap3A_424, %swap3A_425] {strides = array<i32>} : memref<80x128xf32, #tpu.memory_space<vmem>>, vector<16xf32>,
          tpu.vector_store %arg17[%swap3A_424, %swap3A_425], %mul3A_423 {strides = array<i32>} : memref<80x128xf32, #tpu.memory_space<vmem>>, vector<16xf32>,
          %mul3A_427 = arith.mulf %get3A_335, %exp3A_410 : vector<16xf32>
          %swap3A_428 = arith.index_cast %scan3A_294 : i32 to index
          %swap3A_429 = arith.constant 64 : index
          %swap3A_430 = tpu.vector_load %arg17[%swap3A_428, %swap3A_429] {strides = array<i32>} : memref<80x128xf32, #tpu.memory_space<vmem>>, vector<16xf32>,
          tpu.vector_store %arg17[%swap3A_428, %swap3A_429], %mul3A_427 {strides = array<i32>} : memref<80x128xf32, #tpu.memory_space<vmem>>, vector<16xf32>,
          %mul3A_431 = arith.mulf %get3A_344, %exp3A_410 : vector<16xf32>
          %swap3A_432 = arith.index_cast %scan3A_294 : i32 to index
          %swap3A_433 = arith.constant 80 : index
          %swap3A_434 = tpu.vector_load %arg17[%swap3A_432, %swap3A_433] {strides = array<i32>} : memref<80x128xf32, #tpu.memory_space<vmem>>, vector<16xf32>,
          tpu.vector_store %arg17[%swap3A_432, %swap3A_433], %mul3A_431 {strides = array<i32>} : memref<80x128xf32, #tpu.memory_space<vmem>>, vector<16xf32>,
          %mul3A_435 = arith.mulf %get3A_353, %exp3A_410 : vector<16xf32>
          %swap3A_436 = arith.index_cast %scan3A_294 : i32 to index
          %swap3A_437 = arith.constant 96 : index
          %swap3A_438 = tpu.vector_load %arg17[%swap3A_436, %swap3A_437] {strides = array<i32>} : memref<80x128xf32, #tpu.memory_space<vmem>>, vector<16xf32>,
          tpu.vector_store %arg17[%swap3A_436, %swap3A_437], %mul3A_435 {strides = array<i32>} : memref<80x128xf32, #tpu.memory_space<vmem>>, vector<16xf32>,
          %mul3A_439 = arith.mulf %get3A_362, %exp3A_410 : vector<16xf32>
          %swap3A_440 = arith.index_cast %scan3A_294 : i32 to index
          %swap3A_441 = arith.constant 112 : index
          %swap3A_442 = tpu.vector_load %arg17[%swap3A_440, %swap3A_441] {strides = array<i32>} : memref<80x128xf32, #tpu.memory_space<vmem>>, vector<16xf32>,
          tpu.vector_store %arg17[%swap3A_440, %swap3A_441], %mul3A_439 {strides = array<i32>} : memref<80x128xf32, #tpu.memory_space<vmem>>, vector<16xf32>,
          %broadcast_in_dim3A_443 = arith.constant 0 : i32
          %broadcast_in_dim3A_444 = vector.broadcast %broadcast_in_dim3A_443 : i32 to vector<16xi32>
          %add3A_445 = vector.broadcast %scan3A_294 : i32 to vector<16xi32>
          %add3A_446 = arith.addi %broadcast_in_dim3A_444, %add3A_445 : vector<16xi32>
          tpu.vector_store_idx %arg21[%add3A_446], %exp3A_410 masked %eq3A_128 : memref<80xf32, #tpu.memory_space<vmem>>[vector<16xi32>], vector<16xf32>, vector<16xi1>
        }
        %scan3A_134 = arith.constant 80 : i32
        %dma_start3A_135 = arith.constant 0 : i32
        %dma_start3A_136 = arith.constant 0 : i32
        %dma_start3A_137 = tpu.memref_slice %arg9[%dma_start3A_135, %dma_start3A_136] : memref<10000x128xf32, #tpu.memory_space<vmem_shared>> -> memref<10000x128xf32, #tpu.memory_space<vmem_shared>>
        tpu.enqueue_indirect_dma source(%arg17 : memref<80x128xf32, #tpu.memory_space<vmem>>) target(%dma_start3A_137 : memref<10000x128xf32, #tpu.memory_space<vmem_shared>>) offsets(%arg15 : memref<80xi32, #tpu.memory_space<vmem>>) semaphore(%arg28 : memref<!tpu.dma_semaphore, #tpu.memory_space<semaphore_mem>>) {add = true}
        %dma_start3A_138 = arith.constant 0 : i32
        %dma_start3A_139 = tpu.memref_slice %arg10[%dma_start3A_138] : memref<10112xf32, #tpu.memory_space<vmem_shared>> -> memref<10112xf32, #tpu.memory_space<vmem_shared>>
        tpu.enqueue_indirect_dma source(%arg21 : memref<80xf32, #tpu.memory_space<vmem>>) target(%dma_start3A_139 : memref<10112xf32, #tpu.memory_space<vmem_shared>>) offsets(%arg15 : memref<80xi32, #tpu.memory_space<vmem>>) semaphore(%arg28 : memref<!tpu.dma_semaphore, #tpu.memory_space<semaphore_mem>>) {add = true}
        %add3A_140 = arith.constant 2 : i32
        %add3A_141 = arith.addi %scan3A_75, %add3A_140 : i32
        %lt3A_142 = arith.constant 125 : i32
        %lt3A_143 = arith.cmpi slt, %add3A_141, %lt3A_142 : i32
        %convert_element_type3A_144 = arith.extui %lt3A_143 : i1 to i32
        %cond3A_145 = arith.constant 0 : i32
        %cond3A_146 = arith.cmpi ne, %convert_element_type3A_144, %cond3A_145 : i32
        scf.if %cond3A_146 {
          %add3A_147 = arith.constant 2 : i32
          %add3A_148 = arith.addi %scan3A_75, %add3A_147 : i32
          %mul3A_149 = arith.constant 80 : i32
          %mul3A_150 = arith.muli %add3A_148, %mul3A_149 : i32
          %add3A_151 = arith.addi %mul3A_12, %mul3A_150 : i32
          %multiple_of3A_152 = tpu.assume_multiple %add3A_151, 8 : i32
          %add3A_153 = arith.constant 320000 : i32
          %add3A_154 = arith.addi %add3A_153, %mul3A_12 : i32
          %mul3A_155 = arith.constant 80 : i32
          %mul3A_156 = arith.muli %add3A_148, %mul3A_155 : i32
          %add3A_157 = arith.addi %add3A_154, %mul3A_156 : i32
          %multiple_of3A_158 = tpu.assume_multiple %add3A_157, 8 : i32
          %dma_start3A_159 = tpu.memref_slice %arg3[%multiple_of3A_152] : memref<640000xi32, #tpu.memory_space<hbm>> -> memref<80xi32, #tpu.memory_space<hbm>>
          %dma_start3A_160 = tpu.memref_slice %arg3[%multiple_of3A_152] : memref<640000xi32, #tpu.memory_space<hbm>> -> memref<80xi32, #tpu.memory_space<hbm>>
          tpu.enqueue_dma source(%dma_start3A_160 : memref<80xi32, #tpu.memory_space<hbm>>) target(%arg11 : memref<80xi32, #tpu.memory_space<vmem>>) target_semaphore(%arg26 : memref<!tpu.dma_semaphore, #tpu.memory_space<semaphore_mem>>)
          %dma_start3A_161 = tpu.memref_slice %arg3[%multiple_of3A_158] : memref<640000xi32, #tpu.memory_space<hbm>> -> memref<80xi32, #tpu.memory_space<hbm>>
          %dma_start3A_162 = tpu.memref_slice %arg3[%multiple_of3A_158] : memref<640000xi32, #tpu.memory_space<hbm>> -> memref<80xi32, #tpu.memory_space<hbm>>
          tpu.enqueue_dma source(%dma_start3A_162 : memref<80xi32, #tpu.memory_space<hbm>>) target(%arg12 : memref<80xi32, #tpu.memory_space<vmem>>) target_semaphore(%arg26 : memref<!tpu.dma_semaphore, #tpu.memory_space<semaphore_mem>>)
        } else {
        }
      } else {
      }
      %rem3A_82 = arith.constant 2 : i32
      %rem3A_83 = arith.remsi %scan3A_75, %rem3A_82 : i32
      %eq3A_84 = arith.constant 1 : i32
      %eq3A_85 = arith.cmpi eq, %rem3A_83, %eq3A_84 : i32
      %convert_element_type3A_86 = arith.extui %eq3A_85 : i1 to i32
      %cond3A_87 = arith.constant 0 : i32
      %cond3A_88 = arith.cmpi ne, %convert_element_type3A_86, %cond3A_87 : i32
      scf.if %cond3A_88 {
        %dma_wait3A_89 = arith.constant 0 : i32
        %dma_wait3A_90 = arith.constant 0 : i32
        %dma_wait3A_91 = tpu.memref_slice %arg2[%dma_wait3A_89, %dma_wait3A_90] : memref<10000x128xf32, #tpu.memory_space<hbm>> -> memref<80x128xf32, #tpu.memory_space<hbm>>
        %dma_wait3A_92 = arith.constant 0 : i32
        %dma_wait3A_93 = arith.constant 0 : i32
        %dma_wait3A_94 = tpu.memref_slice %arg2[%dma_wait3A_92, %dma_wait3A_93] : memref<10000x128xf32, #tpu.memory_space<hbm>> -> memref<80x128xf32, #tpu.memory_space<hbm>>
        tpu.wait_dma2 semaphore(%arg25 : memref<!tpu.dma_semaphore, #tpu.memory_space<semaphore_mem>>) src(%dma_wait3A_94 : memref<80x128xf32, #tpu.memory_space<hbm>>) dst(%arg19 : memref<80x128xf32, #tpu.memory_space<vmem>>)
        %dma_wait3A_95 = arith.constant 0 : i32
        %dma_wait3A_96 = arith.constant 0 : i32
        %dma_wait3A_97 = tpu.memref_slice %arg2[%dma_wait3A_95, %dma_wait3A_96] : memref<10000x128xf32, #tpu.memory_space<hbm>> -> memref<80x128xf32, #tpu.memory_space<hbm>>
        %dma_wait3A_98 = arith.constant 0 : i32
        %dma_wait3A_99 = arith.constant 0 : i32
        %dma_wait3A_100 = tpu.memref_slice %arg2[%dma_wait3A_98, %dma_wait3A_99] : memref<10000x128xf32, #tpu.memory_space<hbm>> -> memref<80x128xf32, #tpu.memory_space<hbm>>
        tpu.wait_dma2 semaphore(%arg25 : memref<!tpu.dma_semaphore, #tpu.memory_space<semaphore_mem>>) src(%dma_wait3A_100 : memref<80x128xf32, #tpu.memory_space<hbm>>) dst(%arg20 : memref<80x128xf32, #tpu.memory_space<vmem>>)
        %add3A_101 = arith.constant 1 : i32
        %add3A_102 = arith.addi %scan3A_75, %add3A_101 : i32
        %lt3A = arith.constant 125 : i32
        %lt3A_103 = arith.cmpi slt, %add3A_102, %lt3A : i32
        %convert_element_type3A_104 = arith.extui %lt3A_103 : i1 to i32
        %cond3A_105 = arith.constant 0 : i32
        %cond3A_106 = arith.cmpi ne, %convert_element_type3A_104, %cond3A_105 : i32
        scf.if %cond3A_106 {
          %dma_wait3A_147 = arith.constant 0 : i32
          %dma_wait3A_148 = tpu.memref_slice %arg3[%dma_wait3A_147] : memref<640000xi32, #tpu.memory_space<hbm>> -> memref<80xi32, #tpu.memory_space<hbm>>
          %dma_wait3A_149 = arith.constant 0 : i32
          %dma_wait3A_150 = tpu.memref_slice %arg3[%dma_wait3A_149] : memref<640000xi32, #tpu.memory_space<hbm>> -> memref<80xi32, #tpu.memory_space<hbm>>
          tpu.wait_dma2 semaphore(%arg26 : memref<!tpu.dma_semaphore, #tpu.memory_space<semaphore_mem>>) src(%dma_wait3A_150 : memref<80xi32, #tpu.memory_space<hbm>>) dst(%arg11 : memref<80xi32, #tpu.memory_space<vmem>>)
          %dma_wait3A_151 = arith.constant 0 : i32
          %dma_wait3A_152 = tpu.memref_slice %arg3[%dma_wait3A_151] : memref<640000xi32, #tpu.memory_space<hbm>> -> memref<80xi32, #tpu.memory_space<hbm>>
          %dma_wait3A_153 = arith.constant 0 : i32
          %dma_wait3A_154 = tpu.memref_slice %arg3[%dma_wait3A_153] : memref<640000xi32, #tpu.memory_space<hbm>> -> memref<80xi32, #tpu.memory_space<hbm>>
          tpu.wait_dma2 semaphore(%arg26 : memref<!tpu.dma_semaphore, #tpu.memory_space<semaphore_mem>>) src(%dma_wait3A_154 : memref<80xi32, #tpu.memory_space<hbm>>) dst(%arg12 : memref<80xi32, #tpu.memory_space<vmem>>)
          %dma_wait3A_155 = arith.constant 0 : i32
          %dma_wait3A_156 = arith.constant 0 : i32
          %dma_wait3A_157 = tpu.memref_slice %arg9[%dma_wait3A_155, %dma_wait3A_156] : memref<10000x128xf32, #tpu.memory_space<vmem_shared>> -> memref<10000x128xf32, #tpu.memory_space<vmem_shared>>
          tpu.wait_indirect_dma semaphore(%arg28 : memref<!tpu.dma_semaphore, #tpu.memory_space<semaphore_mem>>) src(%arg17 : memref<80x128xf32, #tpu.memory_space<vmem>>) dst(%dma_wait3A_157 : memref<10000x128xf32, #tpu.memory_space<vmem_shared>>)
          %dma_wait3A_158 = arith.constant 0 : i32
          %dma_wait3A_159 = tpu.memref_slice %arg10[%dma_wait3A_158] : memref<10112xf32, #tpu.memory_space<vmem_shared>> -> memref<10112xf32, #tpu.memory_space<vmem_shared>>
          tpu.wait_indirect_dma semaphore(%arg28 : memref<!tpu.dma_semaphore, #tpu.memory_space<semaphore_mem>>) src(%arg21 : memref<80xf32, #tpu.memory_space<vmem>>) dst(%dma_wait3A_159 : memref<10112xf32, #tpu.memory_space<vmem_shared>>)
          %dma_start3A_160 = arith.constant 0 : i32
          %dma_start3A_161 = arith.constant 0 : i32
          %dma_start3A_162 = tpu.memref_slice %arg2[%dma_start3A_160, %dma_start3A_161] : memref<10000x128xf32, #tpu.memory_space<hbm>> -> memref<10000x128xf32, #tpu.memory_space<hbm>>
          tpu.enqueue_indirect_dma source(%dma_start3A_162 : memref<10000x128xf32, #tpu.memory_space<hbm>>) target(%arg17 : memref<80x128xf32, #tpu.memory_space<vmem>>) offsets(%arg11 : memref<80xi32, #tpu.memory_space<vmem>>) semaphore(%arg24 : memref<!tpu.dma_semaphore, #tpu.memory_space<semaphore_mem>>)
          %dma_start3A_163 = arith.constant 0 : i32
          %dma_start3A_164 = arith.constant 0 : i32
          %dma_start3A_165 = tpu.memref_slice %arg2[%dma_start3A_163, %dma_start3A_164] : memref<10000x128xf32, #tpu.memory_space<hbm>> -> memref<10000x128xf32, #tpu.memory_space<hbm>>
          tpu.enqueue_indirect_dma source(%dma_start3A_165 : memref<10000x128xf32, #tpu.memory_space<hbm>>) target(%arg18 : memref<80x128xf32, #tpu.memory_space<vmem>>) offsets(%arg12 : memref<80xi32, #tpu.memory_space<vmem>>) semaphore(%arg24 : memref<!tpu.dma_semaphore, #tpu.memory_space<semaphore_mem>>)
        } else {
        }
        %get3A_107 = arith.constant 0 : index
        %get3A_108 = tpu.vector_load %arg14[%get3A_107] {strides = array<i32>} : memref<80xi32, #tpu.memory_space<vmem>>, vector<16xi32>,
        %swap3A = arith.constant 0 : index
        %swap3A_109 = tpu.vector_load %arg16[%swap3A] {strides = array<i32>} : memref<80xi32, #tpu.memory_space<vmem>>, vector<16xi32>,
        tpu.vector_store %arg16[%swap3A], %get3A_108 {strides = array<i32>} : memref<80xi32, #tpu.memory_space<vmem>>, vector<16xi32>,
        %get3A_110 = arith.constant 16 : index
        %get3A_111 = tpu.vector_load %arg14[%get3A_110] {strides = array<i32>} : memref<80xi32, #tpu.memory_space<vmem>>, vector<16xi32>,
        %swap3A_112 = arith.constant 16 : index
        %swap3A_113 = tpu.vector_load %arg16[%swap3A_112] {strides = array<i32>} : memref<80xi32, #tpu.memory_space<vmem>>, vector<16xi32>,
        tpu.vector_store %arg16[%swap3A_112], %get3A_111 {strides = array<i32>} : memref<80xi32, #tpu.memory_space<vmem>>, vector<16xi32>,
        %get3A_114 = arith.constant 32 : index
        %get3A_115 = tpu.vector_load %arg14[%get3A_114] {strides = array<i32>} : memref<80xi32, #tpu.memory_space<vmem>>, vector<16xi32>,
        %swap3A_116 = arith.constant 32 : index
        %swap3A_117 = tpu.vector_load %arg16[%swap3A_116] {strides = array<i32>} : memref<80xi32, #tpu.memory_space<vmem>>, vector<16xi32>,
        tpu.vector_store %arg16[%swap3A_116], %get3A_115 {strides = array<i32>} : memref<80xi32, #tpu.memory_space<vmem>>, vector<16xi32>,
        %get3A_118 = arith.constant 48 : index
        %get3A_119 = tpu.vector_load %arg14[%get3A_118] {strides = array<i32>} : memref<80xi32, #tpu.memory_space<vmem>>, vector<16xi32>,
        %swap3A_120 = arith.constant 48 : index
        %swap3A_121 = tpu.vector_load %arg16[%swap3A_120] {strides = array<i32>} : memref<80xi32, #tpu.memory_space<vmem>>, vector<16xi32>,
        tpu.vector_store %arg16[%swap3A_120], %get3A_119 {strides = array<i32>} : memref<80xi32, #tpu.memory_space<vmem>>, vector<16xi32>,
        %get3A_122 = arith.constant 64 : index
        %get3A_123 = tpu.vector_load %arg14[%get3A_122] {strides = array<i32>} : memref<80xi32, #tpu.memory_space<vmem>>, vector<16xi32>,
        %swap3A_124 = arith.constant 64 : index
        %swap3A_125 = tpu.vector_load %arg16[%swap3A_124] {strides = array<i32>} : memref<80xi32, #tpu.memory_space<vmem>>, vector<16xi32>,
        tpu.vector_store %arg16[%swap3A_124], %get3A_123 {strides = array<i32>} : memref<80xi32, #tpu.memory_space<vmem>>, vector<16xi32>,
        %slice3A = vector.extract_strided_slice %get3A_10 {offsets = [0], sizes = [1], strides = [1]} : vector<16xf32> to vector<1xf32>
        %squeeze3A = vector.extract %slice3A[0] : f32 from vector<1xf32>
        %eq3A_126 = arith.constant 0 : i32
        %eq3A_127 = vector.broadcast %eq3A_126 : i32 to vector<16xi32>
        %eq3A_128 = arith.cmpi eq, %iota3A, %eq3A_127 : vector<16xi32>
        %scan3A_129 = arith.constant 0 : i32
        %scan3A_130 = arith.constant 0 : i32
        %scan3A_131 = arith.constant 80 : i32
        %scan3A_132 = arith.addi %scan3A_130, %scan3A_131 : i32
        %scan3A_133 = arith.constant 2 : i32
        scf.for %scan3A_147 = %scan3A_130 to %scan3A_132 step %scan3A_133  : i32 {
          %broadcast_in_dim3A = arith.constant 0.000000e+00 : f32
          %broadcast_in_dim3A_148 = vector.broadcast %broadcast_in_dim3A : f32 to vector<16xf32>
          %get3A_149 = arith.index_cast %scan3A_147 : i32 to index
          %get3A_150 = arith.constant 0 : index
          %get3A_151 = tpu.vector_load %arg19[%get3A_149, %get3A_150] {strides = array<i32>} : memref<80x128xf32, #tpu.memory_space<vmem>>, vector<16xf32>,
          %get3A_152 = arith.index_cast %scan3A_147 : i32 to index
          %get3A_153 = arith.constant 0 : index
          %get3A_154 = tpu.vector_load %arg20[%get3A_152, %get3A_153] {strides = array<i32>} : memref<80x128xf32, #tpu.memory_space<vmem>>, vector<16xf32>,
          %sub3A = arith.subf %get3A_151, %get3A_154 : vector<16xf32>
          %mul3A_155 = arith.mulf %sub3A, %sub3A : vector<16xf32>
          %add3A_156 = arith.addf %broadcast_in_dim3A_148, %mul3A_155 : vector<16xf32>
          %get3A_157 = arith.index_cast %scan3A_147 : i32 to index
          %get3A_158 = arith.constant 16 : index
          %get3A_159 = tpu.vector_load %arg19[%get3A_157, %get3A_158] {strides = array<i32>} : memref<80x128xf32, #tpu.memory_space<vmem>>, vector<16xf32>,
          %get3A_160 = arith.index_cast %scan3A_147 : i32 to index
          %get3A_161 = arith.constant 16 : index
          %get3A_162 = tpu.vector_load %arg20[%get3A_160, %get3A_161] {strides = array<i32>} : memref<80x128xf32, #tpu.memory_space<vmem>>, vector<16xf32>,
          %sub3A_163 = arith.subf %get3A_159, %get3A_162 : vector<16xf32>
          %mul3A_164 = arith.mulf %sub3A_163, %sub3A_163 : vector<16xf32>
          %add3A_165 = arith.addf %add3A_156, %mul3A_164 : vector<16xf32>
          %get3A_166 = arith.index_cast %scan3A_147 : i32 to index
          %get3A_167 = arith.constant 32 : index
          %get3A_168 = tpu.vector_load %arg19[%get3A_166, %get3A_167] {strides = array<i32>} : memref<80x128xf32, #tpu.memory_space<vmem>>, vector<16xf32>,
          %get3A_169 = arith.index_cast %scan3A_147 : i32 to index
          %get3A_170 = arith.constant 32 : index
          %get3A_171 = tpu.vector_load %arg20[%get3A_169, %get3A_170] {strides = array<i32>} : memref<80x128xf32, #tpu.memory_space<vmem>>, vector<16xf32>,
          %sub3A_172 = arith.subf %get3A_168, %get3A_171 : vector<16xf32>
          %mul3A_173 = arith.mulf %sub3A_172, %sub3A_172 : vector<16xf32>
          %add3A_174 = arith.addf %add3A_165, %mul3A_173 : vector<16xf32>
          %get3A_175 = arith.index_cast %scan3A_147 : i32 to index
          %get3A_176 = arith.constant 48 : index
          %get3A_177 = tpu.vector_load %arg19[%get3A_175, %get3A_176] {strides = array<i32>} : memref<80x128xf32, #tpu.memory_space<vmem>>, vector<16xf32>,
          %get3A_178 = arith.index_cast %scan3A_147 : i32 to index
          %get3A_179 = arith.constant 48 : index
          %get3A_180 = tpu.vector_load %arg20[%get3A_178, %get3A_179] {strides = array<i32>} : memref<80x128xf32, #tpu.memory_space<vmem>>, vector<16xf32>,
          %sub3A_181 = arith.subf %get3A_177, %get3A_180 : vector<16xf32>
          %mul3A_182 = arith.mulf %sub3A_181, %sub3A_181 : vector<16xf32>
          %add3A_183 = arith.addf %add3A_174, %mul3A_182 : vector<16xf32>
          %get3A_184 = arith.index_cast %scan3A_147 : i32 to index
          %get3A_185 = arith.constant 64 : index
          %get3A_186 = tpu.vector_load %arg19[%get3A_184, %get3A_185] {strides = array<i32>} : memref<80x128xf32, #tpu.memory_space<vmem>>, vector<16xf32>,
          %get3A_187 = arith.index_cast %scan3A_147 : i32 to index
          %get3A_188 = arith.constant 64 : index
          %get3A_189 = tpu.vector_load %arg20[%get3A_187, %get3A_188] {strides = array<i32>} : memref<80x128xf32, #tpu.memory_space<vmem>>, vector<16xf32>,
          %sub3A_190 = arith.subf %get3A_186, %get3A_189 : vector<16xf32>
          %mul3A_191 = arith.mulf %sub3A_190, %sub3A_190 : vector<16xf32>
          %add3A_192 = arith.addf %add3A_183, %mul3A_191 : vector<16xf32>
          %get3A_193 = arith.index_cast %scan3A_147 : i32 to index
          %get3A_194 = arith.constant 80 : index
          %get3A_195 = tpu.vector_load %arg19[%get3A_193, %get3A_194] {strides = array<i32>} : memref<80x128xf32, #tpu.memory_space<vmem>>, vector<16xf32>,
          %get3A_196 = arith.index_cast %scan3A_147 : i32 to index
          %get3A_197 = arith.constant 80 : index
          %get3A_198 = tpu.vector_load %arg20[%get3A_196, %get3A_197] {strides = array<i32>} : memref<80x128xf32, #tpu.memory_space<vmem>>, vector<16xf32>,
          %sub3A_199 = arith.subf %get3A_195, %get3A_198 : vector<16xf32>
          %mul3A_200 = arith.mulf %sub3A_199, %sub3A_199 : vector<16xf32>
          %add3A_201 = arith.addf %add3A_192, %mul3A_200 : vector<16xf32>
          %get3A_202 = arith.index_cast %scan3A_147 : i32 to index
          %get3A_203 = arith.constant 96 : index
          %get3A_204 = tpu.vector_load %arg19[%get3A_202, %get3A_203] {strides = array<i32>} : memref<80x128xf32, #tpu.memory_space<vmem>>, vector<16xf32>,
          %get3A_205 = arith.index_cast %scan3A_147 : i32 to index
          %get3A_206 = arith.constant 96 : index
          %get3A_207 = tpu.vector_load %arg20[%get3A_205, %get3A_206] {strides = array<i32>} : memref<80x128xf32, #tpu.memory_space<vmem>>, vector<16xf32>,
          %sub3A_208 = arith.subf %get3A_204, %get3A_207 : vector<16xf32>
          %mul3A_209 = arith.mulf %sub3A_208, %sub3A_208 : vector<16xf32>
          %add3A_210 = arith.addf %add3A_201, %mul3A_209 : vector<16xf32>
          %get3A_211 = arith.index_cast %scan3A_147 : i32 to index
          %get3A_212 = arith.constant 112 : index
          %get3A_213 = tpu.vector_load %arg19[%get3A_211, %get3A_212] {strides = array<i32>} : memref<80x128xf32, #tpu.memory_space<vmem>>, vector<16xf32>,
          %get3A_214 = arith.index_cast %scan3A_147 : i32 to index
          %get3A_215 = arith.constant 112 : index
          %get3A_216 = tpu.vector_load %arg20[%get3A_214, %get3A_215] {strides = array<i32>} : memref<80x128xf32, #tpu.memory_space<vmem>>, vector<16xf32>,
          %sub3A_217 = arith.subf %get3A_213, %get3A_216 : vector<16xf32>
          %mul3A_218 = arith.mulf %sub3A_217, %sub3A_217 : vector<16xf32>
          %add3A_219 = arith.addf %add3A_210, %mul3A_218 : vector<16xf32>
          %reduce_sum3A = arith.constant true
          %reduce_sum3A_220 = vector.broadcast %reduce_sum3A : i1 to vector<16xi1>
          %reduce_sum3A_221 = tpu.scan <sum>, %add3A_219 masked %reduce_sum3A_220 : vector<16xf32>, vector<16xi1> -> vector<16xf32>
          %reduce_sum3A_222 = vector.extract %reduce_sum3A_221[15] : f32 from vector<16xf32>
          %add3A_223 = arith.constant 9.99999996E-13 : f32
          %add3A_224 = arith.addf %reduce_sum3A_222, %add3A_223 : f32
          %bitcast_convert_type3A = arith.bitcast %add3A_224 : f32 to i32
          %shift_right_arithmetic3A = arith.constant 1 : i32
          %shift_right_arithmetic3A_225 = arith.shrsi %bitcast_convert_type3A, %shift_right_arithmetic3A : i32
          %sub3A_226 = arith.constant 1597463007 : i32
          %sub3A_227 = arith.subi %sub3A_226, %shift_right_arithmetic3A_225 : i32
          %bitcast_convert_type3A_228 = arith.bitcast %sub3A_227 : i32 to f32
          %mul3A_229 = arith.constant 5.000000e-01 : f32
          %mul3A_230 = arith.mulf %mul3A_229, %add3A_224 : f32
          %mul3A_231 = arith.mulf %mul3A_230, %bitcast_convert_type3A_228 : f32
          %mul3A_232 = arith.mulf %mul3A_231, %bitcast_convert_type3A_228 : f32
          %sub3A_233 = arith.constant 1.500000e+00 : f32
          %sub3A_234 = arith.subf %sub3A_233, %mul3A_232 : f32
          %mul3A_235 = arith.mulf %bitcast_convert_type3A_228, %sub3A_234 : f32
          %mul3A_236 = arith.constant 5.000000e-01 : f32
          %mul3A_237 = arith.mulf %mul3A_236, %add3A_224 : f32
          %mul3A_238 = arith.mulf %mul3A_237, %mul3A_235 : f32
          %mul3A_239 = arith.mulf %mul3A_238, %mul3A_235 : f32
          %sub3A_240 = arith.constant 1.500000e+00 : f32
          %sub3A_241 = arith.subf %sub3A_240, %mul3A_239 : f32
          %mul3A_242 = arith.mulf %mul3A_235, %sub3A_241 : f32
          %mul3A_243 = arith.constant 5.000000e-01 : f32
          %mul3A_244 = arith.mulf %mul3A_243, %add3A_224 : f32
          %mul3A_245 = arith.mulf %mul3A_244, %mul3A_242 : f32
          %mul3A_246 = arith.mulf %mul3A_245, %mul3A_242 : f32
          %sub3A_247 = arith.constant 1.500000e+00 : f32
          %sub3A_248 = arith.subf %sub3A_247, %mul3A_246 : f32
          %mul3A_249 = arith.mulf %mul3A_242, %sub3A_248 : f32
          %neg3A = arith.constant 0.000000e+00 : f32
          %neg3A_250 = arith.subf %neg3A, %squeeze3A : f32
          %mul3A_251 = arith.mulf %add3A_224, %mul3A_249 : f32
          %mul3A_252 = arith.mulf %neg3A_250, %mul3A_251 : f32
          %broadcast_in_dim3A_253 = arith.constant 0.000000e+00 : f32
          %broadcast_in_dim3A_254 = vector.broadcast %broadcast_in_dim3A_253 : f32 to vector<16xf32>
          %add3A_255 = vector.broadcast %mul3A_252 : f32 to vector<16xf32>
          %add3A_256 = arith.addf %broadcast_in_dim3A_254, %add3A_255 : vector<16xf32>
          %exp3A = math.exp %add3A_256 : vector<16xf32>
          %mul3A_257 = arith.mulf %get3A_151, %exp3A : vector<16xf32>
          %swap3A_258 = arith.index_cast %scan3A_147 : i32 to index
          %swap3A_259 = arith.constant 0 : index
          %swap3A_260 = tpu.vector_load %arg19[%swap3A_258, %swap3A_259] {strides = array<i32>} : memref<80x128xf32, #tpu.memory_space<vmem>>, vector<16xf32>,
          tpu.vector_store %arg19[%swap3A_258, %swap3A_259], %mul3A_257 {strides = array<i32>} : memref<80x128xf32, #tpu.memory_space<vmem>>, vector<16xf32>,
          %mul3A_261 = arith.mulf %get3A_159, %exp3A : vector<16xf32>
          %swap3A_262 = arith.index_cast %scan3A_147 : i32 to index
          %swap3A_263 = arith.constant 16 : index
          %swap3A_264 = tpu.vector_load %arg19[%swap3A_262, %swap3A_263] {strides = array<i32>} : memref<80x128xf32, #tpu.memory_space<vmem>>, vector<16xf32>,
          tpu.vector_store %arg19[%swap3A_262, %swap3A_263], %mul3A_261 {strides = array<i32>} : memref<80x128xf32, #tpu.memory_space<vmem>>, vector<16xf32>,
          %mul3A_265 = arith.mulf %get3A_168, %exp3A : vector<16xf32>
          %swap3A_266 = arith.index_cast %scan3A_147 : i32 to index
          %swap3A_267 = arith.constant 32 : index
          %swap3A_268 = tpu.vector_load %arg19[%swap3A_266, %swap3A_267] {strides = array<i32>} : memref<80x128xf32, #tpu.memory_space<vmem>>, vector<16xf32>,
          tpu.vector_store %arg19[%swap3A_266, %swap3A_267], %mul3A_265 {strides = array<i32>} : memref<80x128xf32, #tpu.memory_space<vmem>>, vector<16xf32>,
          %mul3A_269 = arith.mulf %get3A_177, %exp3A : vector<16xf32>
          %swap3A_270 = arith.index_cast %scan3A_147 : i32 to index
          %swap3A_271 = arith.constant 48 : index
          %swap3A_272 = tpu.vector_load %arg19[%swap3A_270, %swap3A_271] {strides = array<i32>} : memref<80x128xf32, #tpu.memory_space<vmem>>, vector<16xf32>,
          tpu.vector_store %arg19[%swap3A_270, %swap3A_271], %mul3A_269 {strides = array<i32>} : memref<80x128xf32, #tpu.memory_space<vmem>>, vector<16xf32>,
          %mul3A_273 = arith.mulf %get3A_186, %exp3A : vector<16xf32>
          %swap3A_274 = arith.index_cast %scan3A_147 : i32 to index
          %swap3A_275 = arith.constant 64 : index
          %swap3A_276 = tpu.vector_load %arg19[%swap3A_274, %swap3A_275] {strides = array<i32>} : memref<80x128xf32, #tpu.memory_space<vmem>>, vector<16xf32>,
          tpu.vector_store %arg19[%swap3A_274, %swap3A_275], %mul3A_273 {strides = array<i32>} : memref<80x128xf32, #tpu.memory_space<vmem>>, vector<16xf32>,
          %mul3A_277 = arith.mulf %get3A_195, %exp3A : vector<16xf32>
          %swap3A_278 = arith.index_cast %scan3A_147 : i32 to index
          %swap3A_279 = arith.constant 80 : index
          %swap3A_280 = tpu.vector_load %arg19[%swap3A_278, %swap3A_279] {strides = array<i32>} : memref<80x128xf32, #tpu.memory_space<vmem>>, vector<16xf32>,
          tpu.vector_store %arg19[%swap3A_278, %swap3A_279], %mul3A_277 {strides = array<i32>} : memref<80x128xf32, #tpu.memory_space<vmem>>, vector<16xf32>,
          %mul3A_281 = arith.mulf %get3A_204, %exp3A : vector<16xf32>
          %swap3A_282 = arith.index_cast %scan3A_147 : i32 to index
          %swap3A_283 = arith.constant 96 : index
          %swap3A_284 = tpu.vector_load %arg19[%swap3A_282, %swap3A_283] {strides = array<i32>} : memref<80x128xf32, #tpu.memory_space<vmem>>, vector<16xf32>,
          tpu.vector_store %arg19[%swap3A_282, %swap3A_283], %mul3A_281 {strides = array<i32>} : memref<80x128xf32, #tpu.memory_space<vmem>>, vector<16xf32>,
          %mul3A_285 = arith.mulf %get3A_213, %exp3A : vector<16xf32>
          %swap3A_286 = arith.index_cast %scan3A_147 : i32 to index
          %swap3A_287 = arith.constant 112 : index
          %swap3A_288 = tpu.vector_load %arg19[%swap3A_286, %swap3A_287] {strides = array<i32>} : memref<80x128xf32, #tpu.memory_space<vmem>>, vector<16xf32>,
          tpu.vector_store %arg19[%swap3A_286, %swap3A_287], %mul3A_285 {strides = array<i32>} : memref<80x128xf32, #tpu.memory_space<vmem>>, vector<16xf32>,
          %broadcast_in_dim3A_289 = arith.constant 0 : i32
          %broadcast_in_dim3A_290 = vector.broadcast %broadcast_in_dim3A_289 : i32 to vector<16xi32>
          %add3A_291 = vector.broadcast %scan3A_147 : i32 to vector<16xi32>
          %add3A_292 = arith.addi %broadcast_in_dim3A_290, %add3A_291 : vector<16xi32>
          tpu.vector_store_idx %arg22[%add3A_292], %exp3A masked %eq3A_128 : memref<80xf32, #tpu.memory_space<vmem>>[vector<16xi32>], vector<16xf32>, vector<16xi1>
          %scan3A_293 = arith.constant 1 : i32
          %scan3A_294 = arith.addi %scan3A_147, %scan3A_293 : i32
          %broadcast_in_dim3A_295 = arith.constant 0.000000e+00 : f32
          %broadcast_in_dim3A_296 = vector.broadcast %broadcast_in_dim3A_295 : f32 to vector<16xf32>
          %get3A_297 = arith.index_cast %scan3A_294 : i32 to index
          %get3A_298 = arith.constant 0 : index
          %get3A_299 = tpu.vector_load %arg19[%get3A_297, %get3A_298] {strides = array<i32>} : memref<80x128xf32, #tpu.memory_space<vmem>>, vector<16xf32>,
          %get3A_300 = arith.index_cast %scan3A_294 : i32 to index
          %get3A_301 = arith.constant 0 : index
          %get3A_302 = tpu.vector_load %arg20[%get3A_300, %get3A_301] {strides = array<i32>} : memref<80x128xf32, #tpu.memory_space<vmem>>, vector<16xf32>,
          %sub3A_303 = arith.subf %get3A_299, %get3A_302 : vector<16xf32>
          %mul3A_304 = arith.mulf %sub3A_303, %sub3A_303 : vector<16xf32>
          %add3A_305 = arith.addf %broadcast_in_dim3A_296, %mul3A_304 : vector<16xf32>
          %get3A_306 = arith.index_cast %scan3A_294 : i32 to index
          %get3A_307 = arith.constant 16 : index
          %get3A_308 = tpu.vector_load %arg19[%get3A_306, %get3A_307] {strides = array<i32>} : memref<80x128xf32, #tpu.memory_space<vmem>>, vector<16xf32>,
          %get3A_309 = arith.index_cast %scan3A_294 : i32 to index
          %get3A_310 = arith.constant 16 : index
          %get3A_311 = tpu.vector_load %arg20[%get3A_309, %get3A_310] {strides = array<i32>} : memref<80x128xf32, #tpu.memory_space<vmem>>, vector<16xf32>,
          %sub3A_312 = arith.subf %get3A_308, %get3A_311 : vector<16xf32>
          %mul3A_313 = arith.mulf %sub3A_312, %sub3A_312 : vector<16xf32>
          %add3A_314 = arith.addf %add3A_305, %mul3A_313 : vector<16xf32>
          %get3A_315 = arith.index_cast %scan3A_294 : i32 to index
          %get3A_316 = arith.constant 32 : index
          %get3A_317 = tpu.vector_load %arg19[%get3A_315, %get3A_316] {strides = array<i32>} : memref<80x128xf32, #tpu.memory_space<vmem>>, vector<16xf32>,
          %get3A_318 = arith.index_cast %scan3A_294 : i32 to index
          %get3A_319 = arith.constant 32 : index
          %get3A_320 = tpu.vector_load %arg20[%get3A_318, %get3A_319] {strides = array<i32>} : memref<80x128xf32, #tpu.memory_space<vmem>>, vector<16xf32>,
          %sub3A_321 = arith.subf %get3A_317, %get3A_320 : vector<16xf32>
          %mul3A_322 = arith.mulf %sub3A_321, %sub3A_321 : vector<16xf32>
          %add3A_323 = arith.addf %add3A_314, %mul3A_322 : vector<16xf32>
          %get3A_324 = arith.index_cast %scan3A_294 : i32 to index
          %get3A_325 = arith.constant 48 : index
          %get3A_326 = tpu.vector_load %arg19[%get3A_324, %get3A_325] {strides = array<i32>} : memref<80x128xf32, #tpu.memory_space<vmem>>, vector<16xf32>,
          %get3A_327 = arith.index_cast %scan3A_294 : i32 to index
          %get3A_328 = arith.constant 48 : index
          %get3A_329 = tpu.vector_load %arg20[%get3A_327, %get3A_328] {strides = array<i32>} : memref<80x128xf32, #tpu.memory_space<vmem>>, vector<16xf32>,
          %sub3A_330 = arith.subf %get3A_326, %get3A_329 : vector<16xf32>
          %mul3A_331 = arith.mulf %sub3A_330, %sub3A_330 : vector<16xf32>
          %add3A_332 = arith.addf %add3A_323, %mul3A_331 : vector<16xf32>
          %get3A_333 = arith.index_cast %scan3A_294 : i32 to index
          %get3A_334 = arith.constant 64 : index
          %get3A_335 = tpu.vector_load %arg19[%get3A_333, %get3A_334] {strides = array<i32>} : memref<80x128xf32, #tpu.memory_space<vmem>>, vector<16xf32>,
          %get3A_336 = arith.index_cast %scan3A_294 : i32 to index
          %get3A_337 = arith.constant 64 : index
          %get3A_338 = tpu.vector_load %arg20[%get3A_336, %get3A_337] {strides = array<i32>} : memref<80x128xf32, #tpu.memory_space<vmem>>, vector<16xf32>,
          %sub3A_339 = arith.subf %get3A_335, %get3A_338 : vector<16xf32>
          %mul3A_340 = arith.mulf %sub3A_339, %sub3A_339 : vector<16xf32>
          %add3A_341 = arith.addf %add3A_332, %mul3A_340 : vector<16xf32>
          %get3A_342 = arith.index_cast %scan3A_294 : i32 to index
          %get3A_343 = arith.constant 80 : index
          %get3A_344 = tpu.vector_load %arg19[%get3A_342, %get3A_343] {strides = array<i32>} : memref<80x128xf32, #tpu.memory_space<vmem>>, vector<16xf32>,
          %get3A_345 = arith.index_cast %scan3A_294 : i32 to index
          %get3A_346 = arith.constant 80 : index
          %get3A_347 = tpu.vector_load %arg20[%get3A_345, %get3A_346] {strides = array<i32>} : memref<80x128xf32, #tpu.memory_space<vmem>>, vector<16xf32>,
          %sub3A_348 = arith.subf %get3A_344, %get3A_347 : vector<16xf32>
          %mul3A_349 = arith.mulf %sub3A_348, %sub3A_348 : vector<16xf32>
          %add3A_350 = arith.addf %add3A_341, %mul3A_349 : vector<16xf32>
          %get3A_351 = arith.index_cast %scan3A_294 : i32 to index
          %get3A_352 = arith.constant 96 : index
          %get3A_353 = tpu.vector_load %arg19[%get3A_351, %get3A_352] {strides = array<i32>} : memref<80x128xf32, #tpu.memory_space<vmem>>, vector<16xf32>,
          %get3A_354 = arith.index_cast %scan3A_294 : i32 to index
          %get3A_355 = arith.constant 96 : index
          %get3A_356 = tpu.vector_load %arg20[%get3A_354, %get3A_355] {strides = array<i32>} : memref<80x128xf32, #tpu.memory_space<vmem>>, vector<16xf32>,
          %sub3A_357 = arith.subf %get3A_353, %get3A_356 : vector<16xf32>
          %mul3A_358 = arith.mulf %sub3A_357, %sub3A_357 : vector<16xf32>
          %add3A_359 = arith.addf %add3A_350, %mul3A_358 : vector<16xf32>
          %get3A_360 = arith.index_cast %scan3A_294 : i32 to index
          %get3A_361 = arith.constant 112 : index
          %get3A_362 = tpu.vector_load %arg19[%get3A_360, %get3A_361] {strides = array<i32>} : memref<80x128xf32, #tpu.memory_space<vmem>>, vector<16xf32>,
          %get3A_363 = arith.index_cast %scan3A_294 : i32 to index
          %get3A_364 = arith.constant 112 : index
          %get3A_365 = tpu.vector_load %arg20[%get3A_363, %get3A_364] {strides = array<i32>} : memref<80x128xf32, #tpu.memory_space<vmem>>, vector<16xf32>,
          %sub3A_366 = arith.subf %get3A_362, %get3A_365 : vector<16xf32>
          %mul3A_367 = arith.mulf %sub3A_366, %sub3A_366 : vector<16xf32>
          %add3A_368 = arith.addf %add3A_359, %mul3A_367 : vector<16xf32>
          %reduce_sum3A_369 = arith.constant true
          %reduce_sum3A_370 = vector.broadcast %reduce_sum3A_369 : i1 to vector<16xi1>
          %reduce_sum3A_371 = tpu.scan <sum>, %add3A_368 masked %reduce_sum3A_370 : vector<16xf32>, vector<16xi1> -> vector<16xf32>
          %reduce_sum3A_372 = vector.extract %reduce_sum3A_371[15] : f32 from vector<16xf32>
          %add3A_373 = arith.constant 9.99999996E-13 : f32
          %add3A_374 = arith.addf %reduce_sum3A_372, %add3A_373 : f32
          %bitcast_convert_type3A_375 = arith.bitcast %add3A_374 : f32 to i32
          %shift_right_arithmetic3A_376 = arith.constant 1 : i32
          %shift_right_arithmetic3A_377 = arith.shrsi %bitcast_convert_type3A_375, %shift_right_arithmetic3A_376 : i32
          %sub3A_378 = arith.constant 1597463007 : i32
          %sub3A_379 = arith.subi %sub3A_378, %shift_right_arithmetic3A_377 : i32
          %bitcast_convert_type3A_380 = arith.bitcast %sub3A_379 : i32 to f32
          %mul3A_381 = arith.constant 5.000000e-01 : f32
          %mul3A_382 = arith.mulf %mul3A_381, %add3A_374 : f32
          %mul3A_383 = arith.mulf %mul3A_382, %bitcast_convert_type3A_380 : f32
          %mul3A_384 = arith.mulf %mul3A_383, %bitcast_convert_type3A_380 : f32
          %sub3A_385 = arith.constant 1.500000e+00 : f32
          %sub3A_386 = arith.subf %sub3A_385, %mul3A_384 : f32
          %mul3A_387 = arith.mulf %bitcast_convert_type3A_380, %sub3A_386 : f32
          %mul3A_388 = arith.constant 5.000000e-01 : f32
          %mul3A_389 = arith.mulf %mul3A_388, %add3A_374 : f32
          %mul3A_390 = arith.mulf %mul3A_389, %mul3A_387 : f32
          %mul3A_391 = arith.mulf %mul3A_390, %mul3A_387 : f32
          %sub3A_392 = arith.constant 1.500000e+00 : f32
          %sub3A_393 = arith.subf %sub3A_392, %mul3A_391 : f32
          %mul3A_394 = arith.mulf %mul3A_387, %sub3A_393 : f32
          %mul3A_395 = arith.constant 5.000000e-01 : f32
          %mul3A_396 = arith.mulf %mul3A_395, %add3A_374 : f32
          %mul3A_397 = arith.mulf %mul3A_396, %mul3A_394 : f32
          %mul3A_398 = arith.mulf %mul3A_397, %mul3A_394 : f32
          %sub3A_399 = arith.constant 1.500000e+00 : f32
          %sub3A_400 = arith.subf %sub3A_399, %mul3A_398 : f32
          %mul3A_401 = arith.mulf %mul3A_394, %sub3A_400 : f32
          %neg3A_402 = arith.constant 0.000000e+00 : f32
          %neg3A_403 = arith.subf %neg3A_402, %squeeze3A : f32
          %mul3A_404 = arith.mulf %add3A_374, %mul3A_401 : f32
          %mul3A_405 = arith.mulf %neg3A_403, %mul3A_404 : f32
          %broadcast_in_dim3A_406 = arith.constant 0.000000e+00 : f32
          %broadcast_in_dim3A_407 = vector.broadcast %broadcast_in_dim3A_406 : f32 to vector<16xf32>
          %add3A_408 = vector.broadcast %mul3A_405 : f32 to vector<16xf32>
          %add3A_409 = arith.addf %broadcast_in_dim3A_407, %add3A_408 : vector<16xf32>
          %exp3A_410 = math.exp %add3A_409 : vector<16xf32>
          %mul3A_411 = arith.mulf %get3A_299, %exp3A_410 : vector<16xf32>
          %swap3A_412 = arith.index_cast %scan3A_294 : i32 to index
          %swap3A_413 = arith.constant 0 : index
          %swap3A_414 = tpu.vector_load %arg19[%swap3A_412, %swap3A_413] {strides = array<i32>} : memref<80x128xf32, #tpu.memory_space<vmem>>, vector<16xf32>,
          tpu.vector_store %arg19[%swap3A_412, %swap3A_413], %mul3A_411 {strides = array<i32>} : memref<80x128xf32, #tpu.memory_space<vmem>>, vector<16xf32>,
          %mul3A_415 = arith.mulf %get3A_308, %exp3A_410 : vector<16xf32>
          %swap3A_416 = arith.index_cast %scan3A_294 : i32 to index
          %swap3A_417 = arith.constant 16 : index
          %swap3A_418 = tpu.vector_load %arg19[%swap3A_416, %swap3A_417] {strides = array<i32>} : memref<80x128xf32, #tpu.memory_space<vmem>>, vector<16xf32>,
          tpu.vector_store %arg19[%swap3A_416, %swap3A_417], %mul3A_415 {strides = array<i32>} : memref<80x128xf32, #tpu.memory_space<vmem>>, vector<16xf32>,
          %mul3A_419 = arith.mulf %get3A_317, %exp3A_410 : vector<16xf32>
          %swap3A_420 = arith.index_cast %scan3A_294 : i32 to index
          %swap3A_421 = arith.constant 32 : index
          %swap3A_422 = tpu.vector_load %arg19[%swap3A_420, %swap3A_421] {strides = array<i32>} : memref<80x128xf32, #tpu.memory_space<vmem>>, vector<16xf32>,
          tpu.vector_store %arg19[%swap3A_420, %swap3A_421], %mul3A_419 {strides = array<i32>} : memref<80x128xf32, #tpu.memory_space<vmem>>, vector<16xf32>,
          %mul3A_423 = arith.mulf %get3A_326, %exp3A_410 : vector<16xf32>
          %swap3A_424 = arith.index_cast %scan3A_294 : i32 to index
          %swap3A_425 = arith.constant 48 : index
          %swap3A_426 = tpu.vector_load %arg19[%swap3A_424, %swap3A_425] {strides = array<i32>} : memref<80x128xf32, #tpu.memory_space<vmem>>, vector<16xf32>,
          tpu.vector_store %arg19[%swap3A_424, %swap3A_425], %mul3A_423 {strides = array<i32>} : memref<80x128xf32, #tpu.memory_space<vmem>>, vector<16xf32>,
          %mul3A_427 = arith.mulf %get3A_335, %exp3A_410 : vector<16xf32>
          %swap3A_428 = arith.index_cast %scan3A_294 : i32 to index
          %swap3A_429 = arith.constant 64 : index
          %swap3A_430 = tpu.vector_load %arg19[%swap3A_428, %swap3A_429] {strides = array<i32>} : memref<80x128xf32, #tpu.memory_space<vmem>>, vector<16xf32>,
          tpu.vector_store %arg19[%swap3A_428, %swap3A_429], %mul3A_427 {strides = array<i32>} : memref<80x128xf32, #tpu.memory_space<vmem>>, vector<16xf32>,
          %mul3A_431 = arith.mulf %get3A_344, %exp3A_410 : vector<16xf32>
          %swap3A_432 = arith.index_cast %scan3A_294 : i32 to index
          %swap3A_433 = arith.constant 80 : index
          %swap3A_434 = tpu.vector_load %arg19[%swap3A_432, %swap3A_433] {strides = array<i32>} : memref<80x128xf32, #tpu.memory_space<vmem>>, vector<16xf32>,
          tpu.vector_store %arg19[%swap3A_432, %swap3A_433], %mul3A_431 {strides = array<i32>} : memref<80x128xf32, #tpu.memory_space<vmem>>, vector<16xf32>,
          %mul3A_435 = arith.mulf %get3A_353, %exp3A_410 : vector<16xf32>
          %swap3A_436 = arith.index_cast %scan3A_294 : i32 to index
          %swap3A_437 = arith.constant 96 : index
          %swap3A_438 = tpu.vector_load %arg19[%swap3A_436, %swap3A_437] {strides = array<i32>} : memref<80x128xf32, #tpu.memory_space<vmem>>, vector<16xf32>,
          tpu.vector_store %arg19[%swap3A_436, %swap3A_437], %mul3A_435 {strides = array<i32>} : memref<80x128xf32, #tpu.memory_space<vmem>>, vector<16xf32>,
          %mul3A_439 = arith.mulf %get3A_362, %exp3A_410 : vector<16xf32>
          %swap3A_440 = arith.index_cast %scan3A_294 : i32 to index
          %swap3A_441 = arith.constant 112 : index
          %swap3A_442 = tpu.vector_load %arg19[%swap3A_440, %swap3A_441] {strides = array<i32>} : memref<80x128xf32, #tpu.memory_space<vmem>>, vector<16xf32>,
          tpu.vector_store %arg19[%swap3A_440, %swap3A_441], %mul3A_439 {strides = array<i32>} : memref<80x128xf32, #tpu.memory_space<vmem>>, vector<16xf32>,
          %broadcast_in_dim3A_443 = arith.constant 0 : i32
          %broadcast_in_dim3A_444 = vector.broadcast %broadcast_in_dim3A_443 : i32 to vector<16xi32>
          %add3A_445 = vector.broadcast %scan3A_294 : i32 to vector<16xi32>
          %add3A_446 = arith.addi %broadcast_in_dim3A_444, %add3A_445 : vector<16xi32>
          tpu.vector_store_idx %arg22[%add3A_446], %exp3A_410 masked %eq3A_128 : memref<80xf32, #tpu.memory_space<vmem>>[vector<16xi32>], vector<16xf32>, vector<16xi1>
        }
        %scan3A_134 = arith.constant 80 : i32
        %dma_start3A_135 = arith.constant 0 : i32
        %dma_start3A_136 = arith.constant 0 : i32
        %dma_start3A_137 = tpu.memref_slice %arg9[%dma_start3A_135, %dma_start3A_136] : memref<10000x128xf32, #tpu.memory_space<vmem_shared>> -> memref<10000x128xf32, #tpu.memory_space<vmem_shared>>
        tpu.enqueue_indirect_dma source(%arg19 : memref<80x128xf32, #tpu.memory_space<vmem>>) target(%dma_start3A_137 : memref<10000x128xf32, #tpu.memory_space<vmem_shared>>) offsets(%arg16 : memref<80xi32, #tpu.memory_space<vmem>>) semaphore(%arg29 : memref<!tpu.dma_semaphore, #tpu.memory_space<semaphore_mem>>) {add = true}
        %dma_start3A_138 = arith.constant 0 : i32
        %dma_start3A_139 = tpu.memref_slice %arg10[%dma_start3A_138] : memref<10112xf32, #tpu.memory_space<vmem_shared>> -> memref<10112xf32, #tpu.memory_space<vmem_shared>>
        tpu.enqueue_indirect_dma source(%arg22 : memref<80xf32, #tpu.memory_space<vmem>>) target(%dma_start3A_139 : memref<10112xf32, #tpu.memory_space<vmem_shared>>) offsets(%arg16 : memref<80xi32, #tpu.memory_space<vmem>>) semaphore(%arg29 : memref<!tpu.dma_semaphore, #tpu.memory_space<semaphore_mem>>) {add = true}
        %add3A_140 = arith.constant 2 : i32
        %add3A_141 = arith.addi %scan3A_75, %add3A_140 : i32
        %lt3A_142 = arith.constant 125 : i32
        %lt3A_143 = arith.cmpi slt, %add3A_141, %lt3A_142 : i32
        %convert_element_type3A_144 = arith.extui %lt3A_143 : i1 to i32
        %cond3A_145 = arith.constant 0 : i32
        %cond3A_146 = arith.cmpi ne, %convert_element_type3A_144, %cond3A_145 : i32
        scf.if %cond3A_146 {
          %add3A_147 = arith.constant 2 : i32
          %add3A_148 = arith.addi %scan3A_75, %add3A_147 : i32
          %mul3A_149 = arith.constant 80 : i32
          %mul3A_150 = arith.muli %add3A_148, %mul3A_149 : i32
          %add3A_151 = arith.addi %mul3A_12, %mul3A_150 : i32
          %multiple_of3A_152 = tpu.assume_multiple %add3A_151, 8 : i32
          %add3A_153 = arith.constant 320000 : i32
          %add3A_154 = arith.addi %add3A_153, %mul3A_12 : i32
          %mul3A_155 = arith.constant 80 : i32
          %mul3A_156 = arith.muli %add3A_148, %mul3A_155 : i32
          %add3A_157 = arith.addi %add3A_154, %mul3A_156 : i32
          %multiple_of3A_158 = tpu.assume_multiple %add3A_157, 8 : i32
          %dma_start3A_159 = tpu.memref_slice %arg3[%multiple_of3A_152] : memref<640000xi32, #tpu.memory_space<hbm>> -> memref<80xi32, #tpu.memory_space<hbm>>
          %dma_start3A_160 = tpu.memref_slice %arg3[%multiple_of3A_152] : memref<640000xi32, #tpu.memory_space<hbm>> -> memref<80xi32, #tpu.memory_space<hbm>>
          tpu.enqueue_dma source(%dma_start3A_160 : memref<80xi32, #tpu.memory_space<hbm>>) target(%arg13 : memref<80xi32, #tpu.memory_space<vmem>>) target_semaphore(%arg27 : memref<!tpu.dma_semaphore, #tpu.memory_space<semaphore_mem>>)
          %dma_start3A_161 = tpu.memref_slice %arg3[%multiple_of3A_158] : memref<640000xi32, #tpu.memory_space<hbm>> -> memref<80xi32, #tpu.memory_space<hbm>>
          %dma_start3A_162 = tpu.memref_slice %arg3[%multiple_of3A_158] : memref<640000xi32, #tpu.memory_space<hbm>> -> memref<80xi32, #tpu.memory_space<hbm>>
          tpu.enqueue_dma source(%dma_start3A_162 : memref<80xi32, #tpu.memory_space<hbm>>) target(%arg14 : memref<80xi32, #tpu.memory_space<vmem>>) target_semaphore(%arg27 : memref<!tpu.dma_semaphore, #tpu.memory_space<semaphore_mem>>)
        } else {
        }
      } else {
      }
    }
    %scan3A_53 = arith.constant 125 : i32
    %dma_wait3A_54 = arith.constant 0 : i32
    %dma_wait3A_55 = arith.constant 0 : i32
    %dma_wait3A_56 = tpu.memref_slice %arg9[%dma_wait3A_54, %dma_wait3A_55] : memref<10000x128xf32, #tpu.memory_space<vmem_shared>> -> memref<10000x128xf32, #tpu.memory_space<vmem_shared>>
    tpu.wait_indirect_dma semaphore(%arg29 : memref<!tpu.dma_semaphore, #tpu.memory_space<semaphore_mem>>) src(%arg19 : memref<80x128xf32, #tpu.memory_space<vmem>>) dst(%dma_wait3A_56 : memref<10000x128xf32, #tpu.memory_space<vmem_shared>>)
    %dma_wait3A_57 = arith.constant 0 : i32
    %dma_wait3A_58 = tpu.memref_slice %arg10[%dma_wait3A_57] : memref<10112xf32, #tpu.memory_space<vmem_shared>> -> memref<10112xf32, #tpu.memory_space<vmem_shared>>
    tpu.wait_indirect_dma semaphore(%arg29 : memref<!tpu.dma_semaphore, #tpu.memory_space<semaphore_mem>>) src(%arg22 : memref<80xf32, #tpu.memory_space<vmem>>) dst(%dma_wait3A_58 : memref<10112xf32, #tpu.memory_space<vmem_shared>>)
    %dma_wait3A_59 = arith.constant 0 : i32
    %dma_wait3A_60 = arith.constant 0 : i32
    %dma_wait3A_61 = tpu.memref_slice %arg9[%dma_wait3A_59, %dma_wait3A_60] : memref<10000x128xf32, #tpu.memory_space<vmem_shared>> -> memref<10000x128xf32, #tpu.memory_space<vmem_shared>>
    tpu.wait_indirect_dma semaphore(%arg28 : memref<!tpu.dma_semaphore, #tpu.memory_space<semaphore_mem>>) src(%arg17 : memref<80x128xf32, #tpu.memory_space<vmem>>) dst(%dma_wait3A_61 : memref<10000x128xf32, #tpu.memory_space<vmem_shared>>)
    %dma_wait3A_62 = arith.constant 0 : i32
    %dma_wait3A_63 = tpu.memref_slice %arg10[%dma_wait3A_62] : memref<10112xf32, #tpu.memory_space<vmem_shared>> -> memref<10112xf32, #tpu.memory_space<vmem_shared>>
    tpu.wait_indirect_dma semaphore(%arg28 : memref<!tpu.dma_semaphore, #tpu.memory_space<semaphore_mem>>) src(%arg21 : memref<80xf32, #tpu.memory_space<vmem>>) dst(%dma_wait3A_63 : memref<10112xf32, #tpu.memory_space<vmem_shared>>)
    %barrier3A_64 = arith.constant 0 : index
    tpu.barrier barrier_id(%barrier3A_64)
    "tpu.region"() ({
      %run_scoped3A = tpu.sem_alloc : memref<!tpu.dma_semaphore, #tpu.memory_space<semaphore_mem>>
      %dma_start3A_75 = arith.constant 0 : i32
      %dma_start3A_76 = tpu.memref_slice %arg7[%arg0, %multiple_of3A, %dma_start3A_75] : memref<2x10000x128xf32, #tpu.memory_space<hbm>> -> memref<1x624x128xf32, #tpu.memory_space<hbm>>
      %dma_start3A_77 = tpu.memref_squeeze %dma_start3A_76 : memref<1x624x128xf32, #tpu.memory_space<hbm>> -> memref<624x128xf32, #tpu.memory_space<hbm>>
      %dma_start3A_78 = arith.constant 0 : i32
      %dma_start3A_79 = tpu.memref_slice %arg9[%multiple_of3A, %dma_start3A_78] : memref<10000x128xf32, #tpu.memory_space<vmem_shared>> -> memref<624x128xf32, #tpu.memory_space<vmem_shared>>
      tpu.enqueue_dma source(%dma_start3A_79 : memref<624x128xf32, #tpu.memory_space<vmem_shared>>) target(%dma_start3A_77 : memref<624x128xf32, #tpu.memory_space<hbm>>) target_semaphore(%run_scoped3A : memref<!tpu.dma_semaphore, #tpu.memory_space<semaphore_mem>>)
      %dma_wait3A_80 = arith.constant 0 : i32
      %dma_wait3A_81 = tpu.memref_slice %arg7[%arg0, %multiple_of3A, %dma_wait3A_80] : memref<2x10000x128xf32, #tpu.memory_space<hbm>> -> memref<1x624x128xf32, #tpu.memory_space<hbm>>
      %dma_wait3A_82 = tpu.memref_squeeze %dma_wait3A_81 : memref<1x624x128xf32, #tpu.memory_space<hbm>> -> memref<624x128xf32, #tpu.memory_space<hbm>>
      %dma_wait3A_83 = arith.constant 0 : i32
      %dma_wait3A_84 = tpu.memref_slice %arg9[%multiple_of3A, %dma_wait3A_83] : memref<10000x128xf32, #tpu.memory_space<vmem_shared>> -> memref<624x128xf32, #tpu.memory_space<vmem_shared>>
      tpu.wait_dma2 semaphore(%run_scoped3A : memref<!tpu.dma_semaphore, #tpu.memory_space<semaphore_mem>>) src(%dma_wait3A_84 : memref<624x128xf32, #tpu.memory_space<vmem_shared>>) dst(%dma_wait3A_82 : memref<624x128xf32, #tpu.memory_space<hbm>>)
      tpu.yield
    }) : () -> ()
    %eq3A_65 = arith.constant 15 : i32
    %eq3A_66 = arith.cmpi eq, %arg1, %eq3A_65 : i32
    %convert_element_type3A_67 = arith.extui %eq3A_66 : i1 to i32
    %cond3A_68 = arith.constant 0 : i32
    %cond3A_69 = arith.cmpi ne, %convert_element_type3A_67, %cond3A_68 : i32
    scf.if %cond3A_69 {
      "tpu.region"() ({
        %run_scoped3A = tpu.sem_alloc : memref<!tpu.dma_semaphore, #tpu.memory_space<semaphore_mem>>
        %dma_start3A_75 = arith.constant 9984 : i32
        %dma_start3A_76 = arith.constant 0 : i32
        %dma_start3A_77 = tpu.memref_slice %arg7[%arg0, %dma_start3A_75, %dma_start3A_76] : memref<2x10000x128xf32, #tpu.memory_space<hbm>> -> memref<1x16x128xf32, #tpu.memory_space<hbm>>
        %dma_start3A_78 = tpu.memref_squeeze %dma_start3A_77 : memref<1x16x128xf32, #tpu.memory_space<hbm>> -> memref<16x128xf32, #tpu.memory_space<hbm>>
        %dma_start3A_79 = arith.constant 9984 : i32
        %dma_start3A_80 = arith.constant 0 : i32
        %dma_start3A_81 = tpu.memref_slice %arg9[%dma_start3A_79, %dma_start3A_80] : memref<10000x128xf32, #tpu.memory_space<vmem_shared>> -> memref<16x128xf32, #tpu.memory_space<vmem_shared>>
        tpu.enqueue_dma source(%dma_start3A_81 : memref<16x128xf32, #tpu.memory_space<vmem_shared>>) target(%dma_start3A_78 : memref<16x128xf32, #tpu.memory_space<hbm>>) target_semaphore(%run_scoped3A : memref<!tpu.dma_semaphore, #tpu.memory_space<semaphore_mem>>)
        %dma_wait3A_82 = arith.constant 9984 : i32
        %dma_wait3A_83 = arith.constant 0 : i32
        %dma_wait3A_84 = tpu.memref_slice %arg7[%arg0, %dma_wait3A_82, %dma_wait3A_83] : memref<2x10000x128xf32, #tpu.memory_space<hbm>> -> memref<1x16x128xf32, #tpu.memory_space<hbm>>
        %dma_wait3A_85 = tpu.memref_squeeze %dma_wait3A_84 : memref<1x16x128xf32, #tpu.memory_space<hbm>> -> memref<16x128xf32, #tpu.memory_space<hbm>>
        %dma_wait3A_86 = arith.constant 9984 : i32
        %dma_wait3A_87 = arith.constant 0 : i32
        %dma_wait3A_88 = tpu.memref_slice %arg9[%dma_wait3A_86, %dma_wait3A_87] : memref<10000x128xf32, #tpu.memory_space<vmem_shared>> -> memref<16x128xf32, #tpu.memory_space<vmem_shared>>
        tpu.wait_dma2 semaphore(%run_scoped3A : memref<!tpu.dma_semaphore, #tpu.memory_space<semaphore_mem>>) src(%dma_wait3A_88 : memref<16x128xf32, #tpu.memory_space<vmem_shared>>) dst(%dma_wait3A_85 : memref<16x128xf32, #tpu.memory_space<hbm>>)
        tpu.yield
      }) : () -> ()
    } else {
    }
    %eq3A_70 = arith.constant 0 : i32
    %eq3A_71 = arith.cmpi eq, %arg1, %eq3A_70 : i32
    %convert_element_type3A_72 = arith.extui %eq3A_71 : i1 to i32
    %cond3A_73 = arith.constant 0 : i32
    %cond3A_74 = arith.cmpi ne, %convert_element_type3A_72, %cond3A_73 : i32
    scf.if %cond3A_74 {
      %mul3A_75 = arith.constant 10112 : i32
      %mul3A_76 = arith.muli %arg0, %mul3A_75 : i32
      %multiple_of3A_77 = tpu.assume_multiple %mul3A_76, 8 : i32
      "tpu.region"() ({
        %run_scoped3A = tpu.sem_alloc : memref<!tpu.dma_semaphore, #tpu.memory_space<semaphore_mem>>
        %dma_start3A_78 = tpu.memref_slice %arg8[%multiple_of3A_77] : memref<20224xf32, #tpu.memory_space<hbm>> -> memref<10112xf32, #tpu.memory_space<hbm>>
        tpu.enqueue_dma source(%arg10 : memref<10112xf32, #tpu.memory_space<vmem_shared>>) target(%dma_start3A_78 : memref<10112xf32, #tpu.memory_space<hbm>>) target_semaphore(%run_scoped3A : memref<!tpu.dma_semaphore, #tpu.memory_space<semaphore_mem>>)
        %dma_wait3A_79 = tpu.memref_slice %arg8[%multiple_of3A_77] : memref<20224xf32, #tpu.memory_space<hbm>> -> memref<10112xf32, #tpu.memory_space<hbm>>
        tpu.wait_dma2 semaphore(%run_scoped3A : memref<!tpu.dma_semaphore, #tpu.memory_space<semaphore_mem>>) src(%arg10 : memref<10112xf32, #tpu.memory_space<vmem_shared>>) dst(%dma_wait3A_79 : memref<10112xf32, #tpu.memory_space<hbm>>)
        tpu.yield
      }) : () -> ()
    } else {
    }
    return
  }
}

module attributes {stable_mosaic.version = 14 : i64} {
  func.func @_mm_body(%arg0: i32, %arg1: memref<1000x128xf32, #tpu.memory_space<vmem>>, %arg2: memref<128x128xf32, #tpu.memory_space<vmem>>, %arg3: memref<1000x128xf32, #tpu.memory_space<vmem>>) attributes {dimension_semantics = [#tpu.dimension_semantics<arbitrary>], iteration_bounds = array<i64: 10>, scalar_prefetch = 0 : i64, scratch_operands = 0 : i64, tpu.core_type = #tpu.core_type<tc>, window_params = [{transform_indices = @transform_0, window_bounds = array<i64: 1000, 128>}, {pipeline_mode = #tpu.pipeline_mode<synchronous>, transform_indices = @transform_1, window_bounds = array<i64: 128, 128>}, {transform_indices = @transform_2, window_bounds = array<i64: 1000, 128>}]} {
    %get3A = arith.constant 0 : index
    %get3A_0 = arith.constant 0 : index
    %get3A_1 = vector.load %arg1[%get3A, %get3A_0] : memref<1000x128xf32, #tpu.memory_space<vmem>>, vector<1000x128xf32>
    %get3A_2 = arith.constant 0 : index
    %get3A_3 = arith.constant 0 : index
    %get3A_4 = vector.load %arg2[%get3A_2, %get3A_3] : memref<128x128xf32, #tpu.memory_space<vmem>>, vector<128x128xf32>
    %dot_general3A = arith.constant dense<0.000000e+00> : vector<1000x128xf32>
    %dot_general3A_5 = tpu.matmul %get3A_1, %get3A_4, %dot_general3A {dimension_numbers = #tpu.dot_dimension_numbers<[1], [1], [0], [0], [0, 0, 1, 0], [], []>, transpose_lhs_hint = false} : vector<1000x128xf32>, vector<128x128xf32>, vector<1000x128xf32> -> vector<1000x128xf32>
    %swap3A = arith.constant 0 : index
    %swap3A_6 = arith.constant 0 : index
    %swap3A_7 = vector.load %arg3[%swap3A, %swap3A_6] : memref<1000x128xf32, #tpu.memory_space<vmem>>, vector<1000x128xf32>
    tpu.vector_store %arg3[%swap3A, %swap3A_6], %dot_general3A_5 {strides = array<i32>} : memref<1000x128xf32, #tpu.memory_space<vmem>>, vector<1000x128xf32>,
    return
  }
  func.func @transform_0(%arg0: i32) -> (i32, i32) {
    %c0_i32 = arith.constant 0 : i32
    %c0_i32_0 = arith.constant 0 : i32
    return %arg0, %c0_i32 : i32, i32
  }
  func.func @transform_1(%arg0: i32) -> (i32, i32) {
    %c0_i32 = arith.constant 0 : i32
    %c0_i32_0 = arith.constant 0 : i32
    %c0_i32_1 = arith.constant 0 : i32
    return %c0_i32, %c0_i32_0 : i32, i32
  }
  func.func @transform_2(%arg0: i32) -> (i32, i32) {
    %c0_i32 = arith.constant 0 : i32
    %c0_i32_0 = arith.constant 0 : i32
    return %arg0, %c0_i32 : i32, i32
  }
}

module attributes {stable_mosaic.version = 14 : i64} {
  func.func @_norm_body(%arg0: i32, %arg1: memref<2x1000x128xf32, #tpu.memory_space<vmem>>, %arg2: memref<1000x2xf32, #tpu.memory_space<vmem>>, %arg3: memref<1000x128xf32, #tpu.memory_space<vmem>>) attributes {dimension_semantics = [#tpu.dimension_semantics<arbitrary>], iteration_bounds = array<i64: 10>, scalar_prefetch = 0 : i64, scratch_operands = 0 : i64, tpu.core_type = #tpu.core_type<tc>, window_params = [{transform_indices = @transform_0, window_bounds = array<i64: 2, 1000, 128>}, {transform_indices = @transform_1, window_bounds = array<i64: 1000, 2>}, {transform_indices = @transform_2, window_bounds = array<i64: 1000, 128>}]} {
    %get3A = arith.constant 0 : index
    %get3A_0 = arith.constant 0 : index
    %get3A_1 = arith.constant 0 : index
    %get3A_2 = vector.load %arg1[%get3A, %get3A_0, %get3A_1] : memref<2x1000x128xf32, #tpu.memory_space<vmem>>, vector<1x1000x128xf32>
    %get3A_3 = vector.shape_cast %get3A_2 : vector<1x1000x128xf32> to vector<1000x128xf32>
    %get3A_4 = arith.constant 1 : index
    %get3A_5 = arith.constant 0 : index
    %get3A_6 = arith.constant 0 : index
    %get3A_7 = vector.load %arg1[%get3A_4, %get3A_5, %get3A_6] : memref<2x1000x128xf32, #tpu.memory_space<vmem>>, vector<1x1000x128xf32>
    %get3A_8 = vector.shape_cast %get3A_7 : vector<1x1000x128xf32> to vector<1000x128xf32>
    %add3A = arith.addf %get3A_3, %get3A_8 : vector<1000x128xf32>
    %get3A_9 = arith.constant 0 : index
    %get3A_10 = arith.constant 0 : index
    %get3A_11 = vector.load %arg2[%get3A_9, %get3A_10] : memref<1000x2xf32, #tpu.memory_space<vmem>>, vector<1000x2xf32>
    %slice3A = vector.extract_strided_slice %get3A_11 {offsets = [0, 0], sizes = [1000, 1], strides = [1, 1]} : vector<1000x2xf32> to vector<1000x1xf32>
    %squeeze3A = vector.shape_cast %slice3A : vector<1000x1xf32> to vector<1000xf32>
    %slice3A_12 = vector.extract_strided_slice %get3A_11 {offsets = [0, 1], sizes = [1000, 1], strides = [1, 1]} : vector<1000x2xf32> to vector<1000x1xf32>
    %squeeze3A_13 = vector.shape_cast %slice3A_12 : vector<1000x1xf32> to vector<1000xf32>
    %add3A_14 = arith.addf %squeeze3A, %squeeze3A_13 : vector<1000xf32>
    %gt3A = arith.constant 0.000000e+00 : f32
    %gt3A_15 = vector.broadcast %gt3A : f32 to vector<1000xf32>
    %gt3A_16 = arith.cmpf ogt, %add3A_14, %gt3A_15 : vector<1000xf32>
    %jit3A = arith.constant 1.000000e+00 : f32
    %broadcast_in_dim3A = vector.broadcast %jit3A : f32 to vector<1000xf32>
    %select_n3A = arith.select %gt3A_16, %add3A_14, %broadcast_in_dim3A : vector<1000xi1>, vector<1000xf32>
    %broadcast_in_dim3A_17 = vector.shape_cast %select_n3A : vector<1000xf32> to vector<1000x1xf32>
    %div3A = vector.broadcast %broadcast_in_dim3A_17 : vector<1000x1xf32> to vector<1000x128xf32>
    %div3A_18 = arith.divf %add3A, %div3A : vector<1000x128xf32>
    %swap3A = arith.constant 0 : index
    %swap3A_19 = arith.constant 0 : index
    %swap3A_20 = vector.load %arg3[%swap3A, %swap3A_19] : memref<1000x128xf32, #tpu.memory_space<vmem>>, vector<1000x128xf32>
    tpu.vector_store %arg3[%swap3A, %swap3A_19], %div3A_18 {strides = array<i32>} : memref<1000x128xf32, #tpu.memory_space<vmem>>, vector<1000x128xf32>,
    return
  }
  func.func @transform_0(%arg0: i32) -> (i32, i32, i32) {
    %c0_i32 = arith.constant 0 : i32
    %c0_i32_0 = arith.constant 0 : i32
    %c0_i32_1 = arith.constant 0 : i32
    return %c0_i32, %arg0, %c0_i32_0 : i32, i32, i32
  }
  func.func @transform_1(%arg0: i32) -> (i32, i32) {
    %c0_i32 = arith.constant 0 : i32
    %c0_i32_0 = arith.constant 0 : i32
    return %arg0, %c0_i32 : i32, i32
  }
  func.func @transform_2(%arg0: i32) -> (i32, i32) {
    %c0_i32 = arith.constant 0 : i32
    %c0_i32_0 = arith.constant 0 : i32
    return %arg0, %c0_i32 : i32, i32
  }
}

</mosaic_0001>

<sc_bundles>
// kernel: kernel.5.cloned.1.call-start
scs
__scs_entry_jumppad:
0x0: {  	(pc) =	sbr.rel $0x88, $3  }
0x1: {  	(tag) =	ssettag $0x0;
	lr =	simm.s32 $0x1  }
0x2: {  	[smem:$0x3F9D] =	sst lr;
	_ =	strace $0xD0000000  }
0x3: {  	_ = 	snop  }
0x4: {  	_ = 	snop  }
0x5: {  	_ = 	snop  }
0x6: {  	_ = 	snop  }
0x7: {  	_ = 	snop  }
__scs_overlays_trampoline_lowered:
0x8: {  	[smem:$0x3FAC] =	sst s0  }
0x9: {  	[smem:$0x3FAD] =	sst s1  }
0xa: {  	[smem:$0x3FAE] =	sst s2  }
0xb: {  	[smem:$0x3FAF] =	sst s3  }
0xc: {  	[smem:$0x3FB0] =	sst s4  }
0xd: {  	[smem:$0x3FB1] =	sst s5  }
0xe: {  	[smem:$0x3FB2] =	sst s6  }
0xf: {  	[smem:$0x3FB3] =	sst s7  }
0x10: {  	[smem:$0x3FB4] =	sst s8  }
0x11: {  	[smem:$0x3FB5] =	sst s9;
	s0 =	simm.s32 @!p0 $0x0  }
0x12: {  	s1 =	sld [smem:$0x3F9B];
	s0 =	simm.s32 @p0 $0x1  }
0x13: {  	[smem:$0x3FB6] =	sst s0;
	s0 =	simm.s32 @!p1 $0x0  }
0x14: {  	s2 =	sld [smem:$0x3F9A];
	s0 =	simm.s32 @p1 $0x1  }
0x15: {  	[smem:$0x3FB7] =	sst s0;
	s0 =	simm.s32 @!p2 $0x0  }
0x16: {  	s3 =	sld [smem:$0x3FDB];
	s0 =	simm.s32 @p2 $0x1  }
0x17: {  	s4 =	simm.s32 $0x1BF5;
	[smem:$0x3FB9] =	sst s0  }
0x18: {  	s0 =	sld [smem:$0x3F9C];
	_ =	swait.ge [sflag:s4], $0x0  }
0x19: {  	s7 =	sld [smem:$0x3F9D]  }
0x1a: {  	s8 =	sadd.s32 $0xFFFFE003, lr  }
0x1b: {  	s9 =	sadd.s32 $0xFFFFFEF7, lr;
	s5 =	simm.s32 $0xFFFFFFFF;
	p2 =	slt.u32 s8, $0xFFFFF086  }
0x1c: {  	p1 =	slt.u32 s9, $0xF7A;
	s5 =	simm.s32 @!p2 $0x0  }
0x1d: {  	s5 =	simm.s32 @p1 $0x1;
	p0 =	seq.s32 s7, s2  }
0x1e: {  	s7 =	smul.u32 @!p0 $0xF7A, s2;
	p2 =	seq.s32 @!p0 s5, $0x0  }
0x1f: {  	s9 =	smul.u32 $0xF7A, s1;
	s8 =	simm.s32 @!p0 $0x1BF5;
	p2 =	por !p2, p0  }
0x20: {  	[sflag:s8] =	ssyncset.s32 @!p0 $0xFFFFF086;
	s6 =	sadd.s32 @!p0 s3, s7;
	s7 =	simm.s32 @!p0 $0x108  }
0x21: {  	s3 =	sadd.s32 s3, s9;
	s6 =	sadd.s32 @!p0 $0x88, s6;
	s7 =	simm.s32 @p2 $0x1082  }
0x22: {  	[simem:s7], [sflag:s8] =	dma.local @!p0 [hbm:s6], $0xF7A  }
0x23: {  	s9 =	sor.u32 $0xD0000000, s2;
	s6 =	simm.s32 $0x108;
	_ =	swait.ge @!p0 [sflag:s8], $0x0  }
0x24: {  	s3 =	sadd.s32 $0x88, s3;
	s6 =	simm.s32 @!p1 $0x1082;
	[sflag:s4] =	ssyncset.s32 $0xFFFFF086  }
0x25: {  	[simem:s6], [sflag:s4] =	dma.local [hbm:s3], $0xF7A  }
0x26: {  	[smem:$0x3F9D] =	sst s1;
	(tag) =	ssettag s2;
	_ =	strace s9  }
0x27: {  	s1 =	sld [smem:$0x3FAD]  }
0x28: {  	s2 =	sld [smem:$0x3FAE]  }
0x29: {  	s4 =	sld [smem:$0x3FB0]  }
0x2a: {  	p0 =	seq.s32 s5, $0x0;
	s5 =	sld [smem:$0x3FB1]  }
0x2b: {  	s6 =	sld [smem:$0x3FB2]  }
0x2c: {  	s7 =	sld [smem:$0x3FB3]  }
0x2d: {  	s3 =	simm.s32 $0x108;
	s8 =	sld [smem:$0x3FB4]  }
0x2e: {  	s3 =	simm.s32 @!p0 $0x1082;
	s9 =	sld [smem:$0x3FB5]  }
0x2f: {  	lr =	sadd.s32 s0, s3;
	s0 =	sld [smem:$0x3FAC]  }
0x30: {  	s3 =	sld [smem:$0x3FAF]  }
0x31: {  	[smem:$0x3FB8] =	sst s10  }
0x32: {  	s10 =	sld [smem:$0x3FB6];
	_ =	sdelay $0x3  }
0x33: {  	p0 =	seq.s32 s10, $0x1;
	s10 =	sld [smem:$0x3FB8];
	_ =	sdelay $0x3  }
0x34: {  	[smem:$0x3FB8] =	sst s10  }
0x35: {  	s10 =	sld [smem:$0x3FB7];
	_ =	sdelay $0x3  }
0x36: {  	p1 =	seq.s32 s10, $0x1;
	s10 =	sld [smem:$0x3FB8];
	_ =	sdelay $0x3  }
0x37: {  	[smem:$0x3FB8] =	sst s10  }
0x38: {  	s10 =	sld [smem:$0x3FB9]  }
0x39: {  	_ = 	snop;
	(pc) =	sbr.ind lr, $3  }
0x3a: {  	_ = 	snop  }
0x3b: {  	_ = 	snop  }
0x3c: {  	p2 =	seq.s32 s10, $0x1;
	s10 =	sld [smem:$0x3FB8]  }
0x3d: {  	_ =	shalt  }
0x3e: {  	_ =	shalt  }
0x3f: {  	_ =	shalt  }
0x40: {  	_ =	shalt  }
0x41: {  	_ =	shalt  }
0x42: {  	_ =	shalt  }
0x43: {  	_ =	shalt  }
0x44: {  	_ =	shalt  }
0x45: {  	_ =	shalt  }
0x46: {  	_ =	shalt  }
0x47: {  	_ =	shalt  }
0x48: {  	_ =	shalt  }
0x49: {  	_ =	shalt  }
0x4a: {  	_ =	shalt  }
0x4b: {  	_ =	shalt  }
0x4c: {  	_ =	shalt  }
0x4d: {  	_ =	shalt  }
0x4e: {  	_ =	shalt  }
0x4f: {  	_ =	shalt  }
0x50: {  	_ =	shalt  }
0x51: {  	_ =	shalt  }
0x52: {  	_ =	shalt  }
0x53: {  	_ =	shalt  }
0x54: {  	_ =	shalt  }
0x55: {  	_ =	shalt  }
0x56: {  	_ =	shalt  }
0x57: {  	_ =	shalt  }
0x58: {  	_ =	shalt  }
0x59: {  	_ =	shalt  }
0x5a: {  	_ =	shalt  }
0x5b: {  	_ =	shalt  }
0x5c: {  	_ =	shalt  }
0x5d: {  	_ =	shalt  }
0x5e: {  	_ =	shalt  }
0x5f: {  	_ =	shalt  }
0x60: {  	_ =	shalt  }
0x61: {  	_ =	shalt  }
0x62: {  	_ =	shalt  }
0x63: {  	_ =	shalt  }
0x64: {  	_ =	shalt  }
0x65: {  	_ =	shalt  }
0x66: {  	_ =	shalt  }
0x67: {  	_ =	shalt  }
0x68: {  	_ =	shalt  }
0x69: {  	_ =	shalt  }
0x6a: {  	_ =	shalt  }
0x6b: {  	_ =	shalt  }
0x6c: {  	_ =	shalt  }
0x6d: {  	_ =	shalt  }
0x6e: {  	_ =	shalt  }
0x6f: {  	_ =	shalt  }
0x70: {  	_ =	shalt  }
0x71: {  	_ =	shalt  }
0x72: {  	_ =	shalt  }
0x73: {  	_ =	shalt  }
0x74: {  	_ =	shalt  }
0x75: {  	_ =	shalt  }
0x76: {  	_ =	shalt  }
0x77: {  	_ =	shalt  }
0x78: {  	_ =	shalt  }
0x79: {  	_ =	shalt  }
0x7a: {  	_ =	shalt  }
0x7b: {  	_ =	shalt  }
0x7c: {  	_ =	shalt  }
0x7d: {  	_ =	shalt  }
0x7e: {  	_ =	shalt  }
0x7f: {  	_ =	shalt  }
0x80: {  	_ =	shalt  }
0x81: {  	_ =	shalt  }
0x82: {  	_ =	shalt  }
0x83: {  	_ =	shalt  }
0x84: {  	_ =	shalt  }
0x85: {  	_ =	shalt  }
0x86: {  	_ =	shalt  }
0x87: {  	_ =	shalt  }
.Lfunc_end0:
.L_simem_size_0:
called_computation_lowered:
.L_overlay_start_0:
0x88: {  	s2 =	sld [smem:$0x3FD9]  }
0x89: {  	s3 =	sld [smem:$0x3FFE];
	_ =	sdelay $0x1  }
0x8a: {  	s1 =	srdreg.scid  }
0x8b: {  	s0 =	sand.u32 $0x1, s1  }
0x8c: {  	s17 =	sshll.u32 s0, $0xA;
	s2 =	sadd.s32 s3, s2  }
0x8d: {  	s2 =	sadd.s32 s2, s17  }
0x8e: {  	[smem:$0x3FC4] =	sst s2  }
0x8f: {  	_ = 	snop  }
0x90: {  	s2 =	sld [smem:$0x3FD0];
	(tm) =	ssettm $0x1  }
0x91: {  	s18 =	sld [smem:$0x3FFB];
	_ =	sdelay $0x3  }
0x92: {  	_ =	strace s18  }
0x93: {  	s3 =	sld [smem:$0x3FFC];
	_ =	sdelay $0x3  }
0x94: {  	_ =	strace s3  }
0x95: {  	s3 =	sld [smem:$0x3FFD];
	_ =	sdelay $0x3  }
0x96: {  	_ =	strace s3  }
0x97: {  	_ =	strace $0x8FFFFFFF  }
0x98: {  	s19 =	sld [smem:$0x3FDB];
	_ =	sdelay $0x1  }
0x99: {  	s4 =	simm.s32 $_scs_section_size  }
0x9a: {  	s5 =	simm.s32 $_size__tile_overlayer_lowered;
	s6 =	simm.s32 $_tile_overlayer_lowered  }
0x9b: {  	s22 =	simm.s32 $0x1BFF;
	s21 =	sshll.u32 s6, $0x1;
	s3 =	sadd.s32 s4, s19  }
0x9c: {  	s7 =	simm.s32 $0x0;
	s20 =	sshll.u32 s5, $0x1;
	s5 =	sadd.s32 s21, s3  }
0x9d: {  	[timem:s7], [sflag:s22] =	dma.local [hbm:s5], s20  }
0x9e: {  	_ =	swait.ge [sflag:s22], s20  }
0x9f: {  	s4 =	ssub.s32 $0x0, s20;
	[sflag:s22] =	ssyncset.done $0x0  }
0xa0: {  	[sflag:s22] =	ssyncadd.s32 s4;
	_ =	sdelay $0x1  }
0xa1: {  	s23 =	simm.s32 $0x1B8B  }
0xa2: {  	_ =	swait.ge [sflag:s23], $0x1  }
0xa3: {  	[sflag:s23] =	ssyncset.done $0x0  }
0xa4: {  	s25 =	simm.s32 $0x1B8E;
	s24 =	sld [smem:$0x3FFE];
	[sflag:s23] =	ssyncadd.s32 $0xFFFFFFFF  }
0xa5: {  	s26 =	simm.s32 $execute0_lowered;
	[smem:$0x3FD2] =	sst s25  }
0xa6: {  	s5 =	sshll.u32 s26, $0x1;
	_ =	strace $0x80000046;
	[dreg:$0x1] =	wrdreg $0xFFFFFFFF  }
0xa7: {  	s28 =	simm.s32 $_size_execute0_lowered;
	s3 =	sadd.s32 s3, s5;
	[dreg:$0x0] =	wrdreg $0x0  }
0xa8: {  	s5 =	sshll.u32 s28, $0x1;
	[dreg:$0x2] =	wrdreg s3  }
0xa9: {  	[dreg:$0x3] =	wrdreg s5  }
0xaa: {  	[dreg:$0x4] =	wrdreg $0xC0  }
0xab: {  	_ =	task [dreg:s7], $0x5FFFF  }
0xac: {  	[dreg:$0x1] =	wrdreg $0xFFFFFFFF  }
0xad: {  	[dreg:$0x0] =	wrdreg $0x60  }
0xae: {  	[dreg:$0x2] =	wrdreg s2  }
0xaf: {  	[dreg:$0x3] =	wrdreg s24  }
0xb0: {  	[dreg:$0x4] =	wrdreg $0x0  }
0xb1: {  	[dreg:$0x5] =	wrdreg $0x138800  }
0xb2: {  	[dreg:$0x6] =	wrdreg $0x9  }
0xb3: {  	_ =	task.clear_ibuf [dreg:s7], $0x7FFFF;
	_ =	strace $0x90000046  }
0xb4: {  	s29 =	simm.s32 $0x9;
	_ =	strace $0x80000048  }
0xb5: {  	_ =	swait.ge [sflag:s29], $0x1  }
0xb6: {  	[sflag:s29] =	ssyncadd.s32 $0xFFFFFFFF  }
0xb7: {  	_ =	strace $0x90000048  }
0xb8: {  	_ =	sfence  }
0xb9: {  	s30 =	sld [smem:$0x0];
	_ =	sdelay $0x2  }
0xba: {  	s31 =	sshll.u32 s1, $0xD;
	s1 =	sshrl.u32 s1, $0x2  }
0xbb: {  	s3 =	sand.u32 $0x4000, s31;
	s1 =	sadd.s32 s1, s30  }
0xbc: {  	s0 =	sor.u32 s3, s0;
	s1 =	sshll.u32 s1, $0x11  }
0xbd: {  	s0 =	sor.u32 s1, s0  }
0xbe: {  	s0 =	sadd.s32 $0x8F2B, s0  }
0xbf: {  	[sflag:s0] =	ssyncadd.remote.s32 $0x1  }
0xc0: {  	_ =	sfence.sel $0xFFFF  }
0xc1: {  	[dreg:$0x0] =	wrdreg $0xFFFFFFFF;
	(pc) =	sbr.abs _section_cstart, $3  }
0xc2: {  	[dreg:$0x1] =	wrdreg $0xFFFFFFFF  }
0xc3: {  	_ =	task.clear_ibuf [dreg:s7], $0x2FFFF;
	_ =	strace $0x9FFFFFFF  }
0xc4: {  	(tm) =	ssettm $0x7FFFFFFF  }
0xc5: {  	_ =	shalt  }
tec
execute0_lowered:
.L_overlay_start_1:
0x0: {  	(tag) =	ssettag $0x1  }
0x1: {  	s1 =	rddreg [dreg:$0x0]  }
0x2: {  	s0 =	rddreg [dreg:$0x1]  }
0x3: {  	s2 =	rddreg [dreg:$0x2]  }
0x4: {  	s4 =	rddreg [dreg:$0x3];
	s3 =	simm.s32 $0x0;
	s16 =	stileid.u32  }
0x5: {  	s7 =	srdreg.scid;
	s28 =	simm.s32 $0x13B78;
	s29 =	simm.s32 $0x3  }
0x6: {  	s30 =	simm.s32 $0x50;
	s31 =	simm.s32 $0x13DF8;
	[smem:$0x7FF] =	sst s3  }
0x7: {  	s21 =	smul.u32 $0x13800, s16;
	s6 =	sadd.s32 $0x1200, s0;
	s5 =	sadd.s32 $0x14C00, s0  }
0x8: {  	s8 =	sadd.s32 $0x14E00, s0;
	s7 =	sand.u32 $0x1, s7;
	s13 =	smul.u32 $0x4E000, s16  }
0x9: {  	s25 =	sshll.u32 s16, $0x6;
	s19 =	sadd.s32 $0x138000, s2;
	p0 =	seq.s32 s16, $0x0  }
0xa: {  	p4 =	sne.s32 s16, $0xF;
	_ =	strace $0x80000047;
	[dreg:$0x5] =	wrdreg s5  }
0xb: {  	s3 =	simm.s32 $0x2;
	[dreg:$0x6] =	wrdreg s8;
	s8 =	sadd.s32 $0x3D000, s0  }
0xc: {  	s9 =	smul.u32 $0x4F0, s7;
	s10 =	ssub.s32 $0x2, s7;
	s12 =	sshll.u32 s7, $0x4  }
0xd: {  	s26 =	smul.u32 $0x138800, s7;
	p3 =	sne.s32 @!p0 s16, $0xF;
	[dreg:$0x9] =	wrdreg s19  }
0xe: {  	s22 =	sshrl.u32 s21, $0x3;
	s11 =	sshrl.u32 s10, $0x1;
	s23 =	sor.u32 s16, s12  }
0xf: {  	s24 =	sshrl.u32 s13, $0x2;
	s12 =	sor.u32 $0x1C07, s25;
	p2 =	por p3, p0  }
0x10: {  	p3 =	por !p3, p0;
	s16 =	simm.s32 $0x1;
	s5 =	sadd.s32 s22, s0  }
0x11: {  	s14 =	sadd.s32 s9, s0;
	s10 =	ssub.s32 s10, s11;
	s9 =	smul.u32 $0x2710, s23  }
0x12: {  	s15 =	sadd.s32 s24, s2;
	s0 =	sadd.s32 $0x3C400, s0;
	s20 =	sadd.s32 s21, s26  }
0x13: {  	s22 =	sshrl.u32 s26, $0x3;
	[dreg:$0x8] =	wrdreg s12;
	s5 =	sadd.s32 $0x15400, s5  }
0x14: {  	[dreg:$0xa] =	wrdreg s0;
	s0 =	sshrl.u32 s20, $0x3;
	s24 =	sadd.s32 s8, s22  }
0x15: {  	s25 =	sadd.s32 $0x3C600, s14;
	s26 =	smax.u32 s10, $0x1;
	s14 =	sshrl.u32 s15, $0x3  }
0x16: {  	s15 =	simm.s32 $0x7;
	s10 =	simm.s32 $0x18DF8;
	[dreg:$0x7] =	wrdreg s5  }
0x17: {  	s20 =	simm.s32 $0x0;
	s13 =	sadd.s32 $0x4E200, s9;
	[dreg:$0x11] =	wrdreg s25  }
0x18: {  	s7 =	sshrl.u32 s9, $0x3;
	s0 =	sadd.s32 s8, s0;
	[dreg:$0x12] =	wrdreg s26  }
0x19: {  	s26 =	simm.s32 $0x13AF8;
	s25 =	simm.s32 $0x5;
	[dreg:$0x13] =	wrdreg s14  }
0x1a: {  	s11 =	sshrl.u32 s13, $0x3;
	s17 =	sadd.s32 s6, s7;
	[dreg:$0xf] =	wrdreg s0  }
.Ltmp0:
0x1b: {  	s0 =	sadd.s32 $0x27000, s24;
	[dreg:$0xb] =	wrdreg s17;
	(pc) =	sbr.rel .LBB2_1-.Ltmp0, $4  }
0x1c: {  	s8 =	simm.s32 $0x13D78;
	s18 =	sadd.s32 s6, s11;
	[dreg:$0x10] =	wrdreg s0  }
0x1d: {  	s7 =	simm.s32 $0x1DE78;
	s21 =	sadd.s32 $0xA, s17;
	[dreg:$0xc] =	wrdreg s18  }
0x1e: {  	s23 =	sadd.s32 $0x9C4A, s17;
	s0 =	simm.s32 $0x165F8;
	[dreg:$0xd] =	wrdreg s21  }
0x1f: {  	s17 =	simm.s32 $0x1DDF8;
	[dreg:$0xe] =	wrdreg s23;
	s18 =	simm.s32 $0x13CF8  }
.LBB2_10:
0x20: {  	s5 =	simm.s32 $0x6  }
0x21: {  	_ =	swait.ge [sflag:s5], $0x2800  }
0x22: {  	[sflag:s5] =	ssyncset.done $0x0  }
0x23: {  	[sflag:s5] =	ssyncadd.s32 $0xFFFFD800  }
0x24: {  	_ =	swait.ge [sflag:s5], $0x50  }
0x25: {  	[sflag:s5] =	ssyncset.done $0x0  }
0x26: {  	[sflag:s5] =	ssyncadd.s32 $0xFFFFFFB0  }
0x27: {  	_ =	swait.ge [sflag:s25], $0x2800  }
0x28: {  	[sflag:s25] =	ssyncset.done $0x0  }
0x29: {  	[sflag:s25] =	ssyncadd.s32 $0xFFFFD800  }
0x2a: {  	_ =	swait.ge [sflag:s25], $0x50  }
0x2b: {  	[sflag:s25] =	ssyncset.done $0x0  }
0x2c: {  	[sflag:s25] =	ssyncadd.s32 $0xFFFFFFB0  }
0x2d: {  	[bflag:$0x0] =	sbarrier.arrive $0xFFFF  }
0x2e: {  	s12 =	rddreg [dreg:$0x8]  }
0x2f: {  	s23 =	rddreg [dreg:$0xf]  }
0x30: {  	s15 =	simm.s32 $0x7;
	s14 =	rddreg [dreg:$0x13]  }
0x31: {  	[hbm:s23], [sflag:s12] =	dma.local [spmem:s14], $0x2700  }
0x32: {  	_ =	swait.ge [sflag:s15], $0x2700  }
0x33: {  	[sflag:s15] =	ssyncset.done $0x0;
	s19 =	rddreg [dreg:$0x9]  }
0x34: {  	s11 =	rddreg [dreg:$0x10];
	[sflag:s15] =	ssyncadd.s32 $0xFFFFD900;
	s5 =	sshrl.u32 @!p4 s19, $0x3  }
0x35: {  	[hbm:s11], [sflag:s12] =	dma.local @!p4 [spmem:s5], $0x100  }
0x36: {  	s5 =	simm.s32 @!p4 $0x7  }
0x37: {  	_ =	swait.ge @!p4 [sflag:s5], $0x100  }
0x38: {  	[sflag:s5] =	ssyncset.done @!p4 $0x0  }
0x39: {  	s11 =	rddreg [dreg:$0x11];
	[sflag:s5] =	ssyncadd.s32 @!p4 $0xFFFFFF00;
	s5 =	sshrl.u32 @p5 s4, $0x3  }
0x3a: {  	[hbm:s11], [sflag:s12] =	dma.local @p5 [spmem:s5], $0x4F0  }
0x3b: {  	s5 =	simm.s32 @p5 $0x7  }
0x3c: {  	_ =	swait.ge @p5 [sflag:s5], $0x4F0  }
0x3d: {  	s20 =	rddreg [dreg:$0x14]  }
0x3e: {  	s24 =	rddreg [dreg:$0x12];
	s20 =	sadd.s32 $0x1, s20  }
0x3f: {  	p1 =	sne.s32 s20, s24  }
.Ltmp1:
0x40: {  	_ = 	snop;
	(pc) =	sbr.rel @!p1 .LBB2_11-.Ltmp1, $3  }
0x41: {  	_ =	sdelay $0x1  }
0x42: {  	[sflag:s5] =	ssyncset.done @p5 $0x0  }
0x43: {  	[sflag:s5] =	ssyncadd.s32 @p5 $0xFFFFFB10  }
.LBB2_1:
0x44: {  	[dreg:$0x14] =	wrdreg s20  }
0x45: {  	s5 =	rddreg [dreg:$0x7]  }
0x46: {  	[spmem:s14], [sflag:s12] =	dma.local [hbm:s5], $0x2700  }
0x47: {  	_ =	swait.ge [sflag:s15], $0x2700  }
0x48: {  	[sflag:s15] =	ssyncset.done $0x0  }
0x49: {  	s5 =	sshrl.u32 @p0 s4, $0x3;
	s11 =	rddreg [dreg:$0x6];
	[sflag:s15] =	ssyncadd.s32 $0xFFFFD900  }
0x4a: {  	[spmem:s5], [sflag:s12] =	dma.local @p0 [hbm:s11], $0x4F0  }
0x4b: {  	s5 =	simm.s32 @p0 $0x7  }
0x4c: {  	_ =	swait.ge @p0 [sflag:s5], $0x4F0  }
0x4d: {  	[sflag:s5] =	ssyncset.done @p0 $0x0  }
0x4e: {  	s11 =	rddreg [dreg:$0xa];
	[sflag:s5] =	ssyncadd.s32 @p0 $0xFFFFFB10;
	s5 =	sshrl.u32 @!p2 s19, $0x3  }
0x4f: {  	[spmem:s5], [sflag:s12] =	dma.local @!p2 [hbm:s11], $0x100  }
0x50: {  	s5 =	simm.s32 @!p2 $0x7  }
0x51: {  	_ =	swait.ge @!p2 [sflag:s5], $0x100  }
0x52: {  	s24 =	simm.s32 $0x0;
	[sflag:s5] =	ssyncset.done @!p2 $0x0  }
0x53: {  	s14 =	simm.s32 $0x1DEF8;
	s12 =	rddreg [dreg:$0x5];
	[sflag:s5] =	ssyncadd.s32 @!p2 $0xFFFFFF00  }
0x54: {  	[tilespmem:s14], [sflag:$0x7] =	stream.linear.gather [hbm4b:s12+s24], $0x80, $0x38;
	[tilespmem:$0x1DF78] =	vst v63  }
0x55: {  	_ =	swait.ge [sflag:s15], $0x80  }
0x56: {  	[sflag:s15] =	ssyncset.done $0x0  }
0x57: {  	[sflag:s15] =	ssyncadd.s32 $0xFFFFFF80  }
0x58: {  	v0 =	vld [tilespmem:$0x1DEF8];
	[bflag:$0x0] =	sbarrier.arrive $0xFFFF  }
0x59: {  	s15 =	rddreg [dreg:$0xb]  }
0x5a: {  	[tilespmem:s26], [sflag:$0x3] =	stream.linear.gather [hbm4b:s15+s24], $0x50, $0x38;
	[tilespmem:$0x1DF78] =	vst v63  }
0x5b: {  	s19 =	rddreg [dreg:$0xc]  }
0x5c: {  	[tilespmem:s28], [sflag:$0x3] =	stream.linear.gather [hbm4b:s19+s24], $0x50, $0x38;
	[tilespmem:$0x1DF78] =	vst v63  }
0x5d: {  	_ =	swait.ge [sflag:s29], $0x50  }
0x5e: {  	[sflag:s29] =	ssyncset.done $0x0  }
0x5f: {  	[sflag:s29] =	ssyncadd.s32 $0xFFFFFFB0  }
0x60: {  	_ =	swait.ge [sflag:s29], $0x50  }
0x61: {  	(v2sf) =	vpush v0, $0x0;
	_ =	sdelay $0x4  }
0x62: {  	[sflag:s29] =	ssyncset.done $0x0  }
0x63: {  	[sflag:s29] =	ssyncadd.s32 $0xFFFFFFB0  }
0x64: {  	[tilespmem:s31], [sflag:$0x1] =	stream.indirect.gather [hbm4b:s1+s30], $0x80, s26, s30, $0xb8;
	[tilespmem:$0x1DF78] =	vst v63  }
0x65: {  	_ = 	snop  }
0x66: {  	[tilespmem:s0], [sflag:$0x1] =	stream.indirect.gather [hbm4b:s1+s30], $0x80, s28, s30, $0xb8;
	[tilespmem:$0x1DF78] =	vst v63  }
0x67: {  	s21 =	simm.s32 $0x13BF8;
	s20 =	rddreg [dreg:$0xd]  }
0x68: {  	[tilespmem:s21], [sflag:$0x4] =	stream.linear.gather [hbm4b:s20+s24], $0x50, $0x38;
	[tilespmem:$0x1DF78] =	vst v63  }
.Ltmp2:
0x69: {  	p6 =	por @!p2 $0x0, $0x0;
	(pc) =	sbr.rel .LBB2_2-.Ltmp2, $4  }
0x6a: {  	s23 =	simm.s32 $0x13C78;
	p1 =	por $0x0, $0x0;
	s22 =	rddreg [dreg:$0xe]  }
0x6b: {  	[tilespmem:s23], [sflag:$0x4] =	stream.linear.gather [hbm4b:s22+s24], $0x50, $0x38;
	[tilespmem:$0x1DF78] =	vst v63  }
0x6c: {  	p5 =	por @p0 $0x1, $0x1;
	p6 =	por @!p3 p1, p1;
	s24 =	spop (v2sf)  }
0x6d: {  	p5 =	por @!p0 p6, p6;
	s21 =	simm.s32 $0x0;
	s20 =	ssub.f32 $0.0e+00, s24  }
.LBB2_5:
0x6e: {  	_ =	sdelay $0x2  }
0x6f: {  	v8 =	vpop (erf)  }
0x70: {  	v1 =	vmul.f32 v8, v1  }
0x71: {  	v2 =	vmul.f32 v8, v2  }
0x72: {  	v4 =	vmul.f32 v8, v4;
	[tilespmem:s23+$0x0] =	vst v1  }
0x73: {  	v59 =	vmul.f32 v8, v5;
	[tilespmem:s23+$0x20] =	vst v2  }
0x74: {  	s5 =	sadd.s32 $0x1, s12;
	v60 =	vmul.f32 v8, v6;
	[tilespmem:s23+$0x30] =	vst v4  }
0x75: {  	v61 =	vmov s5;
	v0 =	vmul.f32 v8, v0;
	[tilespmem:s23+$0x50] =	vst v59  }
0x76: {  	p1 =	sgt.u32 s21, $0x7A;
	v62 =	vmul.f32 v8, v7;
	[tilespmem:s23+$0x60] =	vst v60  }
0x77: {  	s5 =	smul.u32 @!p1 $0x50, s21;
	v63 =	vmul.f32 v8, v3;
	[tilespmem:s23+$0x10] =	vst v0  }
0x78: {  	[tilespmem:s23+$0x70] =	vst v62  }
0x79: {  	s5 =	sadd.s32 @!p1 $0xA0, s5;
	[tilespmem:s23+$0x40] =	vst v63  }
0x7a: {  	s11 =	sadd.s32 @!p1 s9, s5;
	[tilespmem:v61+s17+$0x0] =	vst.idx.msk $0x1, v8  }
0x7b: {  	[spmem:s2] =	stream.indirect.scatter.add.f32 [tilespmem:s31], [sflag:$0x5], $0x80, s18, s30, $0xb8;
	[tilespmem:$0x1DF78] =	vst v63  }
0x7c: {  	s12 =	simm.s32 @!p1 $0x0;
	s5 =	sadd.s32 @!p1 s13, s5;
	s11 =	sshrl.u32 @!p1 s11, $0x3  }
0x7d: {  	[spmem:s4] =	stream.indirect.scatter.add.f32 [tilespmem:s17], [sflag:$0x5], $0x1, s18, s30, $0xb8;
	[tilespmem:$0x1DF78] =	vst v63  }
0x7e: {  	s14 =	simm.s32 @!p1 $0x13AF8;
	s5 =	sshrl.u32 @!p1 s5, $0x3;
	s11 =	sadd.s32 @!p1 s6, s11  }
0x7f: {  	[tilespmem:s14], [sflag:$0x3] =	stream.linear.gather @!p1 [hbm4b:s11+s12], $0x50, $0x38;
	[tilespmem:$0x1DF78] =	vst v63  }
0x80: {  	s5 =	sadd.s32 @!p1 s6, s5;
	s11 =	simm.s32 @!p1 $0x13B78  }
0x81: {  	[tilespmem:s11], [sflag:$0x3] =	stream.linear.gather @!p1 [hbm4b:s5+s12], $0x50, $0x38;
	[tilespmem:$0x1DF78] =	vst v63  }
.LBB2_9:
0x82: {  	s21 =	sadd.s32 $0x1, s21  }
0x83: {  	p1 =	sne.s32 s21, $0x7D  }
.Ltmp3:
0x84: {  	_ = 	snop;
	(pc) =	sbr.rel @!p1 .LBB2_10-.Ltmp3, $1  }
0x85: {  	_ =	sdelay $0x3  }
.LBB2_2:
0x86: {  	s5 =	sand.u32 $0x1, s21  }
0x87: {  	p6 =	seq.s32 s5, $0x1  }
.Ltmp4:
0x88: {  	_ = 	snop;
	(pc) =	sbr.rel @!p6 .LBB2_3-.Ltmp4, $1  }
0x89: {  	_ =	sdelay $0x3  }
0x8a: {  	_ =	swait.ge [sflag:s3], $0x2800  }
0x8b: {  	[sflag:s3] =	ssyncset.done $0x0  }
0x8c: {  	[sflag:s3] =	ssyncadd.s32 $0xFFFFD800  }
0x8d: {  	_ =	swait.ge [sflag:s3], $0x2800  }
0x8e: {  	[sflag:s3] =	ssyncset.done $0x0  }
0x8f: {  	[sflag:s3] =	ssyncadd.s32 $0xFFFFD800  }
0x90: {  	_ =	swait.ge [sflag:s29], $0x50  }
0x91: {  	[sflag:s29] =	ssyncset.done $0x0  }
0x92: {  	[sflag:s29] =	ssyncadd.s32 $0xFFFFFFB0  }
0x93: {  	_ =	swait.ge [sflag:s29], $0x50  }
0x94: {  	[sflag:s29] =	ssyncset.done $0x0  }
0x95: {  	[sflag:s29] =	ssyncadd.s32 $0xFFFFFFB0  }
0x96: {  	_ =	swait.ge [sflag:s25], $0x2800  }
0x97: {  	[sflag:s25] =	ssyncset.done $0x0  }
0x98: {  	[sflag:s25] =	ssyncadd.s32 $0xFFFFD800  }
0x99: {  	_ =	swait.ge [sflag:s25], $0x50  }
0x9a: {  	[sflag:s25] =	ssyncset.done $0x0  }
0x9b: {  	[sflag:s25] =	ssyncadd.s32 $0xFFFFFFB0  }
0x9c: {  	[tilespmem:s31], [sflag:$0x1] =	stream.indirect.gather [hbm4b:s1+s30], $0x80, s26, s30, $0xb8;
	[tilespmem:$0x1DF78] =	vst v63  }
0x9d: {  	_ = 	snop  }
0x9e: {  	[tilespmem:s0], [sflag:$0x1] =	stream.indirect.gather [hbm4b:s1+s30], $0x80, s28, s30, $0xb8;
	[tilespmem:$0x1DF78] =	vst v63  }
0x9f: {  	v0 =	vld [tilespmem:$0x13C78]  }
0xa0: {  	v1 =	vld [tilespmem:$0x13C88]  }
0xa1: {  	v2 =	vld [tilespmem:$0x13C98]  }
0xa2: {  	v3 =	vld [tilespmem:$0x13CA8]  }
0xa3: {  	v4 =	vld [tilespmem:$0x13CB8]  }
0xa4: {  	[tilespmem:$0x13D78] =	vst v0  }
0xa5: {  	[tilespmem:$0x13D88] =	vst v1  }
0xa6: {  	[tilespmem:$0x13D98] =	vst v2  }
0xa7: {  	[tilespmem:$0x13DA8] =	vst v3  }
0xa8: {  	s22 =	simm.s32 $0x18E78;
	[tilespmem:$0x13DB8] =	vst v4  }
0xa9: {  	s15 =	simm.s32 $0x1B678;
	v0 =	vld [tilespmem:s22+$0xFFFFFF80]  }
0xaa: {  	v1 =	vld [tilespmem:s15+$0xFFFFFF90]  }
0xab: {  	v2 =	vld [tilespmem:s22+$0xFFFFFF90]  }
0xac: {  	v3 =	vld [tilespmem:s15+$0xFFFFFF80]  }
0xad: {  	v4 =	vld [tilespmem:s15+$0xFFFFFFA0]  }
0xae: {  	v5 =	vld [tilespmem:s22+$0xFFFFFFA0]  }
0xaf: {  	v6 =	vld [tilespmem:s15+$0xFFFFFFB0]  }
0xb0: {  	v7 =	vld [tilespmem:s22+$0xFFFFFFB0]  }
0xb1: {  	v8 =	vld [tilespmem:s15+$0xFFFFFFC0];
	v1 =	vsub.f32 v2, v1;
	v3 =	vsub.f32 v0, v3  }
0xb2: {  	v9 =	vld [tilespmem:s22+$0xFFFFFFC0]  }
0xb3: {  	v10 =	vld [tilespmem:s15+$0xFFFFFFD0];
	v4 =	vsub.f32 v5, v4;
	v3 =	vmul.f32 v3, v3;
	v1 =	vmul.f32 v1, v1  }
0xb4: {  	v11 =	vld [tilespmem:s22+$0xFFFFFFD0]  }
0xb5: {  	v12 =	vld [tilespmem:s22+$0xFFFFFFE0];
	v1 =	vadd.f32 v1, v3;
	v3 =	vmul.f32 v4, v4;
	v4 =	vsub.f32 v7, v6  }
0xb6: {  	v6 =	vld [tilespmem:s15+$0xFFFFFFE0]  }
0xb7: {  	v13 =	vld [tilespmem:s22+$0xFFFFFFF0];
	v1 =	vadd.f32 v3, v1;
	v3 =	vmul.f32 v4, v4;
	v4 =	vsub.f32 v9, v8  }
0xb8: {  	v8 =	vld [tilespmem:s15+$0xFFFFFFF0]  }
0xb9: {  	v1 =	vadd.f32 v3, v1;
	v3 =	vmul.f32 v4, v4;
	v4 =	vsub.f32 v11, v10;
	_ =	sdelay $0x1  }
0xba: {  	v1 =	vadd.f32 v3, v1;
	v3 =	vmul.f32 v4, v4;
	v4 =	vsub.f32 v12, v6;
	_ =	sdelay $0x1  }
0xbb: {  	v1 =	vadd.f32 v3, v1;
	v3 =	vmul.f32 v4, v4;
	v4 =	vsub.f32 v13, v8;
	_ =	sdelay $0x1  }
0xbc: {  	v1 =	vadd.f32 v3, v1;
	v3 =	vmul.f32 v4, v4;
	_ =	sdelay $0x1  }
0xbd: {  	v1 =	vadd.f32 v3, v1;
	_ =	sdelay $0x1  }
0xbe: {  	(xrf2) =	vadd.scan.msk.f32 $0xffff, v1;
	_ =	sdelay $0x9  }
0xbf: {  	v1, _, _ =	vpop (xrf2)  }
0xc0: {  	(v2sf) =	vpush v1, $0xF;
	_ =	sdelay $0xe  }
0xc1: {  	s5 =	spop (v2sf)  }
0xc2: {  	s5 =	sadd.f32 $9.999999960e-13, s5;
	_ =	sdelay $0x1  }
0xc3: {  	s11 =	sshra.s32 s5, $0x1;
	s12 =	smul.f32 $5.000000000e-01, s5  }
0xc4: {  	s11 =	ssub.s32 $0x5F3759DF, s11  }
0xc5: {  	s14 =	smul.f32 s11, s12;
	_ =	sdelay $0x1  }
0xc6: {  	s14 =	smul.f32 s11, s14;
	_ =	sdelay $0x1  }
0xc7: {  	s14 =	ssub.f32 $1.500000000e+00, s14;
	_ =	sdelay $0x1  }
0xc8: {  	s11 =	smul.f32 s11, s14;
	_ =	sdelay $0x1  }
0xc9: {  	s14 =	smul.f32 s11, s12;
	_ =	sdelay $0x1  }
0xca: {  	s14 =	smul.f32 s14, s11;
	_ =	sdelay $0x1  }
0xcb: {  	s14 =	ssub.f32 $1.500000000e+00, s14;
	_ =	sdelay $0x1  }
0xcc: {  	s11 =	smul.f32 s14, s11;
	_ =	sdelay $0x1  }
0xcd: {  	s12 =	smul.f32 s11, s12;
	_ =	sdelay $0x1  }
0xce: {  	s12 =	smul.f32 s12, s11;
	_ =	sdelay $0x1  }
0xcf: {  	s12 =	ssub.f32 $1.500000000e+00, s12;
	_ =	sdelay $0x1  }
0xd0: {  	s11 =	smul.f32 s12, s11;
	_ =	sdelay $0x1  }
0xd1: {  	s5 =	smul.f32 s11, s5;
	_ =	sdelay $0x1  }
0xd2: {  	s5 =	smul.f32 s5, s20;
	_ =	sdelay $0x1  }
0xd3: {  	v1 =	vmov s5  }
0xd4: {  	v1 =	vadd.f32 $0.0e+00, v1;
	_ =	sdelay $0x1  }
0xd5: {  	v1 =	vmul.f32 $1.442695020e+00, v1;
	_ =	sdelay $0x1  }
0xd6: {  	v1 =	vbroadcast v1, $0x0;
	_ =	sdelay $0x1  }
0xd7: {  	(erf) = vpow2.f32 v1;
	_ =	sdelay $0x8  }
0xd8: {  	v1 =	vpop (erf)  }
0xd9: {  	v3 =	vmul.f32 v1, v13  }
0xda: {  	s12 =	simm.s32 $0x0;
	v4 =	vmul.f32 v1, v9  }
0xdb: {  	v0 =	vmul.f32 v1, v0;
	[tilespmem:s22+$0xFFFFFFF0] =	vst v3;
	v3 =	vmov s12  }
0xdc: {  	v5 =	vmul.f32 v1, v5;
	[tilespmem:s22+$0xFFFFFFC0] =	vst v4;
	v3 =	vand.u32 $0xFFFFFFFE, v3  }
0xdd: {  	v2 =	vmul.f32 v1, v2;
	[tilespmem:s22+$0xFFFFFF80] =	vst v0;
	v0 =	vbroadcast v3, $0x0  }
0xde: {  	v4 =	vmul.f32 v1, v12;
	[tilespmem:s22+$0xFFFFFFA0] =	vst v5  }
0xdf: {  	v5 =	vmul.f32 v1, v11;
	[tilespmem:s22+$0xFFFFFF90] =	vst v2  }
0xe0: {  	v3 =	vmul.f32 v1, v7;
	[tilespmem:s22+$0xFFFFFFE0] =	vst v4  }
0xe1: {  	[tilespmem:s22+$0xFFFFFFD0] =	vst v5  }
0xe2: {  	[tilespmem:s22+$0xFFFFFFB0] =	vst v3  }
0xe3: {  	[tilespmem:v0+s7+$0x0] =	vst.idx.msk $0x1, v1  }
0xe4: {  	v3 =	vld [tilespmem:s15+$0x10]  }
0xe5: {  	v0 =	vld [tilespmem:s22+$0x10]  }
0xe6: {  	v1 =	vld [tilespmem:s22+$0x0]  }
0xe7: {  	v5 =	vld [tilespmem:s15+$0x0]  }
0xe8: {  	v6 =	vld [tilespmem:s15+$0x20]  }
0xe9: {  	v2 =	vld [tilespmem:s22+$0x20]  }
0xea: {  	v7 =	vld [tilespmem:s15+$0x30]  }
0xeb: {  	v4 =	vld [tilespmem:s22+$0x30]  }
0xec: {  	v51 =	vld [tilespmem:s15+$0x40];
	v8 =	vsub.f32 v0, v3;
	v5 =	vsub.f32 v1, v5  }
0xed: {  	v3 =	vld [tilespmem:s22+$0x40]  }
0xee: {  	v53 =	vld [tilespmem:s15+$0x50];
	v6 =	vsub.f32 v2, v6;
	v8 =	vmul.f32 v8, v8;
	v52 =	vmul.f32 v5, v5  }
0xef: {  	v5 =	vld [tilespmem:s22+$0x50]  }
0xf0: {  	v55 =	vld [tilespmem:s15+$0x60];
	v7 =	vsub.f32 v4, v7;
	v54 =	vmul.f32 v6, v6;
	v8 =	vadd.f32 v8, v52  }
0xf1: {  	v6 =	vld [tilespmem:s22+$0x60]  }
0xf2: {  	v57 =	vld [tilespmem:s15+$0x70];
	v56 =	vmul.f32 v7, v7;
	v9 =	vsub.f32 v3, v51;
	v8 =	vadd.f32 v54, v8  }
0xf3: {  	v7 =	vld [tilespmem:s22+$0x70]  }
0xf4: {  	v9 =	vmul.f32 v9, v9;
	v58 =	vsub.f32 v5, v53;
	v8 =	vadd.f32 v56, v8;
	_ =	sdelay $0x1  }
0xf5: {  	v60 =	vsub.f32 v6, v55;
	v59 =	vmul.f32 v58, v58;
	v8 =	vadd.f32 v9, v8;
	_ =	sdelay $0x1  }
0xf6: {  	v62 =	vsub.f32 v7, v57;
	v61 =	vmul.f32 v60, v60;
	v8 =	vadd.f32 v59, v8;
	_ =	sdelay $0x1  }
0xf7: {  	v63 =	vmul.f32 v62, v62;
	v8 =	vadd.f32 v61, v8;
	_ =	sdelay $0x1  }
0xf8: {  	v8 =	vadd.f32 v63, v8;
	_ =	sdelay $0x1  }
0xf9: {  	(xrf2) =	vadd.scan.msk.f32 $0xffff, v8;
	_ =	sdelay $0x9  }
0xfa: {  	v8, _, _ =	vpop (xrf2)  }
0xfb: {  	(v2sf) =	vpush v8, $0xF;
	_ =	sdelay $0xe  }
0xfc: {  	s19 =	spop (v2sf)  }
0xfd: {  	s5 =	sadd.f32 $9.999999960e-13, s19;
	_ =	sdelay $0x1  }
0xfe: {  	s23 =	sshra.s32 s5, $0x1;
	s24 =	smul.f32 $5.000000000e-01, s5  }
0xff: {  	s11 =	ssub.s32 $0x5F3759DF, s23  }
0x100: {  	s19 =	smul.f32 s11, s24;
	_ =	sdelay $0x1  }
0x101: {  	s19 =	smul.f32 s11, s19;
	_ =	sdelay $0x1  }
0x102: {  	s19 =	ssub.f32 $1.500000000e+00, s19;
	_ =	sdelay $0x1  }
0x103: {  	s11 =	smul.f32 s11, s19;
	_ =	sdelay $0x1  }
0x104: {  	s19 =	smul.f32 s11, s24;
	_ =	sdelay $0x1  }
0x105: {  	s19 =	smul.f32 s19, s11;
	_ =	sdelay $0x1  }
0x106: {  	s19 =	ssub.f32 $1.500000000e+00, s19;
	_ =	sdelay $0x1  }
0x107: {  	s11 =	smul.f32 s19, s11;
	_ =	sdelay $0x1  }
0x108: {  	s14 =	smul.f32 s11, s24;
	_ =	sdelay $0x1  }
0x109: {  	s14 =	smul.f32 s14, s11;
	_ =	sdelay $0x1  }
0x10a: {  	s14 =	ssub.f32 $1.500000000e+00, s14;
	_ =	sdelay $0x1  }
0x10b: {  	s11 =	smul.f32 s14, s11;
	_ =	sdelay $0x1  }
0x10c: {  	s5 =	smul.f32 s11, s5;
	_ =	sdelay $0x1  }
0x10d: {  	s5 =	smul.f32 s5, s20;
	_ =	sdelay $0x1  }
0x10e: {  	v8 =	vmov s5  }
0x10f: {  	v8 =	vadd.f32 $0.0e+00, v8;
	_ =	sdelay $0x1  }
0x110: {  	v8 =	vmul.f32 $1.442695020e+00, v8;
	_ =	sdelay $0x1  }
0x111: {  	v8 =	vbroadcast v8, $0x0;
	_ =	sdelay $0x1  }
0x112: {  	s23 =	simm.s32 $0x18E78;
	s5 =	simm.s32 $0x2;
	(erf) = vpow2.f32 v8  }
.LBB2_7:
0x113: {  	_ =	sdelay $0x1  }
0x114: {  	p6 =	slt.u32 s5, $0x4E;
	s15 =	sadd.s32 $0x100, s15;
	s22 =	sadd.s32 $0x100, s22  }
0x115: {  	s11 =	smov.u32 s5;
	s5 =	sadd.s32 $0x2, s5;
	_ =	sdelay $0x4  }
0x116: {  	v8 =	vpop (erf)  }
0x117: {  	v1 =	vmul.f32 v8, v1;
	v0 =	vmul.f32 v8, v0  }
0x118: {  	v2 =	vmul.f32 v8, v2;
	v4 =	vmul.f32 v8, v4  }
0x119: {  	[tilespmem:s23+$0x0] =	vst v1;
	v1 =	vmul.f32 v8, v3;
	v3 =	vmul.f32 v8, v5  }
0x11a: {  	s14 =	sadd.s32 $0x1, s12;
	s12 =	smov.u32 s11;
	v5 =	vmul.f32 v8, v7;
	[tilespmem:s23+$0x20] =	vst v2;
	v2 =	vmul.f32 v8, v6  }
0x11b: {  	[tilespmem:s23+$0x30] =	vst v4;
	v4 =	vmov s14  }
0x11c: {  	[tilespmem:s23+$0x50] =	vst v3  }
0x11d: {  	[tilespmem:s23+$0x60] =	vst v2  }
0x11e: {  	[tilespmem:s23+$0x10] =	vst v0  }
0x11f: {  	[tilespmem:s23+$0x70] =	vst v5  }
0x120: {  	[tilespmem:s23+$0x40] =	vst v1;
	s23 =	smov.u32 s22  }
0x121: {  	[tilespmem:v4+s7+$0x0] =	vst.idx.msk $0x1, v8  }
0x122: {  	v0 =	vld [tilespmem:s22+$0xFFFFFF80]  }
0x123: {  	v3 =	vld [tilespmem:s15+$0xFFFFFF90]  }
0x124: {  	v1 =	vld [tilespmem:s22+$0xFFFFFF90]  }
0x125: {  	v4 =	vld [tilespmem:s15+$0xFFFFFF80]  }
0x126: {  	v5 =	vld [tilespmem:s15+$0xFFFFFFA0]  }
0x127: {  	v2 =	vld [tilespmem:s22+$0xFFFFFFA0]  }
0x128: {  	v7 =	vld [tilespmem:s15+$0xFFFFFFB0]  }
0x129: {  	v6 =	vsub.f32 v1, v3;
	v3 =	vld [tilespmem:s22+$0xFFFFFFB0]  }
0x12a: {  	v8 =	vsub.f32 v0, v4;
	v9 =	vld [tilespmem:s15+$0xFFFFFFC0]  }
0x12b: {  	v4 =	vld [tilespmem:s22+$0xFFFFFFC0]  }
0x12c: {  	v10 =	vmul.f32 v6, v6;
	v8 =	vmul.f32 v8, v8;
	v5 =	vsub.f32 v2, v5;
	v11 =	vld [tilespmem:s15+$0xFFFFFFD0]  }
0x12d: {  	v6 =	vld [tilespmem:s22+$0xFFFFFFD0]  }
0x12e: {  	v8 =	vadd.f32 v10, v8;
	v10 =	vmul.f32 v5, v5;
	v7 =	vsub.f32 v3, v7;
	v12 =	vld [tilespmem:s15+$0xFFFFFFE0]  }
0x12f: {  	v5 =	vld [tilespmem:s22+$0xFFFFFFE0]  }
0x130: {  	v8 =	vadd.f32 v10, v8;
	v10 =	vmul.f32 v7, v7;
	v9 =	vsub.f32 v4, v9;
	v13 =	vld [tilespmem:s15+$0xFFFFFFF0]  }
0x131: {  	v7 =	vld [tilespmem:s22+$0xFFFFFFF0]  }
0x132: {  	v8 =	vadd.f32 v10, v8;
	v9 =	vmul.f32 v9, v9;
	v10 =	vsub.f32 v6, v11;
	_ =	sdelay $0x1  }
0x133: {  	v8 =	vadd.f32 v9, v8;
	v9 =	vmul.f32 v10, v10;
	v10 =	vsub.f32 v5, v12;
	_ =	sdelay $0x1  }
0x134: {  	v8 =	vadd.f32 v9, v8;
	v9 =	vmul.f32 v10, v10;
	v10 =	vsub.f32 v7, v13;
	_ =	sdelay $0x1  }
0x135: {  	v8 =	vadd.f32 v9, v8;
	v9 =	vmul.f32 v10, v10;
	_ =	sdelay $0x1  }
0x136: {  	v8 =	vadd.f32 v9, v8;
	_ =	sdelay $0x1  }
0x137: {  	(xrf2) =	vadd.scan.msk.f32 $0xffff, v8;
	_ =	sdelay $0x9  }
0x138: {  	v8, _, _ =	vpop (xrf2)  }
0x139: {  	(v2sf) =	vpush v8, $0xF;
	_ =	sdelay $0xe  }
0x13a: {  	s11 =	spop (v2sf)  }
0x13b: {  	s11 =	sadd.f32 $9.999999960e-13, s11;
	_ =	sdelay $0x1  }
0x13c: {  	s14 =	sshra.s32 s11, $0x1;
	s19 =	smul.f32 $5.000000000e-01, s11  }
0x13d: {  	s14 =	ssub.s32 $0x5F3759DF, s14  }
0x13e: {  	s24 =	smul.f32 s14, s19;
	_ =	sdelay $0x1  }
0x13f: {  	s24 =	smul.f32 s14, s24;
	_ =	sdelay $0x1  }
0x140: {  	s24 =	ssub.f32 $1.500000000e+00, s24;
	_ =	sdelay $0x1  }
0x141: {  	s14 =	smul.f32 s14, s24;
	_ =	sdelay $0x1  }
0x142: {  	s24 =	smul.f32 s14, s19;
	_ =	sdelay $0x1  }
0x143: {  	s24 =	smul.f32 s24, s14;
	_ =	sdelay $0x1  }
0x144: {  	s24 =	ssub.f32 $1.500000000e+00, s24;
	_ =	sdelay $0x1  }
0x145: {  	s14 =	smul.f32 s24, s14;
	_ =	sdelay $0x1  }
0x146: {  	s19 =	smul.f32 s14, s19;
	_ =	sdelay $0x1  }
0x147: {  	s19 =	smul.f32 s19, s14;
	_ =	sdelay $0x1  }
0x148: {  	s19 =	ssub.f32 $1.500000000e+00, s19;
	_ =	sdelay $0x1  }
0x149: {  	s14 =	smul.f32 s19, s14;
	_ =	sdelay $0x1  }
0x14a: {  	s11 =	smul.f32 s14, s11;
	_ =	sdelay $0x1  }
0x14b: {  	s11 =	smul.f32 s11, s20;
	_ =	sdelay $0x1  }
0x14c: {  	v8 =	vmov s11  }
0x14d: {  	v8 =	vadd.f32 $0.0e+00, v8;
	_ =	sdelay $0x1  }
0x14e: {  	v8 =	vmul.f32 $1.442695020e+00, v8;
	_ =	sdelay $0x1  }
0x14f: {  	v8 =	vbroadcast v8, $0x0;
	_ =	sdelay $0x1  }
0x150: {  	(erf) = vpow2.f32 v8;
	_ =	sdelay $0x8  }
0x151: {  	v8 =	vpop (erf)  }
0x152: {  	v4 =	vmul.f32 v8, v4;
	v7 =	vmul.f32 v8, v7  }
0x153: {  	v0 =	vmul.f32 v8, v0;
	v6 =	vmul.f32 v8, v6  }
0x154: {  	v1 =	vmul.f32 v8, v1;
	v2 =	vmul.f32 v8, v2;
	[tilespmem:s22+$0xFFFFFFF0] =	vst v7;
	v7 =	vmov s12  }
0x155: {  	v3 =	vmul.f32 v8, v3;
	[tilespmem:s22+$0xFFFFFFC0] =	vst v4;
	v4 =	vmul.f32 v8, v5;
	v5 =	vand.u32 $0xFFFFFFFE, v7  }
0x156: {  	[tilespmem:s22+$0xFFFFFF80] =	vst v0;
	v0 =	vbroadcast v5, $0x0  }
0x157: {  	[tilespmem:s22+$0xFFFFFFA0] =	vst v2  }
0x158: {  	[tilespmem:s22+$0xFFFFFFE0] =	vst v4  }
0x159: {  	[tilespmem:s22+$0xFFFFFFB0] =	vst v3  }
0x15a: {  	[tilespmem:s22+$0xFFFFFFD0] =	vst v6  }
0x15b: {  	[tilespmem:s22+$0xFFFFFF90] =	vst v1  }
0x15c: {  	[tilespmem:v0+s7+$0x0] =	vst.idx.msk $0x1, v8  }
0x15d: {  	v3 =	vld [tilespmem:s15+$0x10]  }
0x15e: {  	v0 =	vld [tilespmem:s22+$0x10]  }
0x15f: {  	v1 =	vld [tilespmem:s22+$0x0]  }
0x160: {  	v5 =	vld [tilespmem:s15+$0x0]  }
0x161: {  	v6 =	vld [tilespmem:s15+$0x20]  }
0x162: {  	v2 =	vld [tilespmem:s22+$0x20]  }
0x163: {  	v3 =	vsub.f32 v0, v3;
	v7 =	vld [tilespmem:s15+$0x30]  }
0x164: {  	v4 =	vld [tilespmem:s22+$0x30]  }
0x165: {  	v5 =	vsub.f32 v1, v5;
	v8 =	vmul.f32 v3, v3;
	v9 =	vld [tilespmem:s15+$0x40]  }
0x166: {  	v3 =	vld [tilespmem:s22+$0x40]  }
0x167: {  	v10 =	vmul.f32 v5, v5;
	v6 =	vsub.f32 v2, v6;
	v11 =	vld [tilespmem:s15+$0x50]  }
0x168: {  	v5 =	vld [tilespmem:s22+$0x50]  }
0x169: {  	v8 =	vadd.f32 v8, v10;
	v10 =	vmul.f32 v6, v6;
	v7 =	vsub.f32 v4, v7;
	v12 =	vld [tilespmem:s15+$0x60]  }
0x16a: {  	v6 =	vld [tilespmem:s22+$0x60]  }
0x16b: {  	v8 =	vadd.f32 v10, v8;
	v10 =	vmul.f32 v7, v7;
	v9 =	vsub.f32 v3, v9;
	v13 =	vld [tilespmem:s15+$0x70]  }
0x16c: {  	v7 =	vld [tilespmem:s22+$0x70]  }
0x16d: {  	v8 =	vadd.f32 v10, v8;
	v9 =	vmul.f32 v9, v9;
	v10 =	vsub.f32 v5, v11;
	_ =	sdelay $0x1  }
0x16e: {  	v8 =	vadd.f32 v9, v8;
	v9 =	vmul.f32 v10, v10;
	v10 =	vsub.f32 v6, v12;
	_ =	sdelay $0x1  }
0x16f: {  	v8 =	vadd.f32 v9, v8;
	v9 =	vmul.f32 v10, v10;
	v10 =	vsub.f32 v7, v13;
	_ =	sdelay $0x1  }
0x170: {  	v8 =	vadd.f32 v9, v8;
	v9 =	vmul.f32 v10, v10;
	_ =	sdelay $0x1  }
0x171: {  	v8 =	vadd.f32 v9, v8;
	_ =	sdelay $0x1  }
0x172: {  	(xrf2) =	vadd.scan.msk.f32 $0xffff, v8;
	_ =	sdelay $0x9  }
0x173: {  	v8, _, _ =	vpop (xrf2)  }
0x174: {  	(v2sf) =	vpush v8, $0xF;
	_ =	sdelay $0xe  }
0x175: {  	s11 =	spop (v2sf)  }
0x176: {  	s11 =	sadd.f32 $9.999999960e-13, s11;
	_ =	sdelay $0x1  }
0x177: {  	s14 =	sshra.s32 s11, $0x1;
	s19 =	smul.f32 $5.000000000e-01, s11  }
0x178: {  	s14 =	ssub.s32 $0x5F3759DF, s14  }
0x179: {  	s24 =	smul.f32 s14, s19;
	_ =	sdelay $0x1  }
0x17a: {  	s24 =	smul.f32 s14, s24;
	_ =	sdelay $0x1  }
0x17b: {  	s24 =	ssub.f32 $1.500000000e+00, s24;
	_ =	sdelay $0x1  }
0x17c: {  	s14 =	smul.f32 s14, s24;
	_ =	sdelay $0x1  }
0x17d: {  	s24 =	smul.f32 s14, s19;
	_ =	sdelay $0x1  }
0x17e: {  	s24 =	smul.f32 s24, s14;
	_ =	sdelay $0x1  }
0x17f: {  	s24 =	ssub.f32 $1.500000000e+00, s24;
	_ =	sdelay $0x1  }
0x180: {  	s14 =	smul.f32 s24, s14;
	_ =	sdelay $0x1  }
0x181: {  	s19 =	smul.f32 s14, s19;
	_ =	sdelay $0x1  }
0x182: {  	s19 =	smul.f32 s19, s14;
	_ =	sdelay $0x1  }
0x183: {  	s19 =	ssub.f32 $1.500000000e+00, s19;
	_ =	sdelay $0x1  }
0x184: {  	s14 =	smul.f32 s19, s14;
	_ =	sdelay $0x1  }
0x185: {  	s11 =	smul.f32 s14, s11;
	_ =	sdelay $0x1  }
0x186: {  	s11 =	smul.f32 s11, s20;
	_ =	sdelay $0x1  }
0x187: {  	v8 =	vmov s11  }
0x188: {  	v8 =	vadd.f32 $0.0e+00, v8;
	_ =	sdelay $0x1  }
.Ltmp5:
0x189: {  	v8 =	vmul.f32 $1.442695020e+00, v8;
	(pc) =	sbr.rel @p6 .LBB2_7-.Ltmp5, $3  }
0x18a: {  	_ = 	snop  }
0x18b: {  	v8 =	vbroadcast v8, $0x0;
	_ =	sdelay $0x1  }
0x18c: {  	(erf) = vpow2.f32 v8  }
0x18d: {  	_ =	sdelay $0x7  }
0x18e: {  	v8 =	vpop (erf)  }
0x18f: {  	v1 =	vmul.f32 v8, v1  }
0x190: {  	v2 =	vmul.f32 v8, v2  }
0x191: {  	v4 =	vmul.f32 v8, v4;
	[tilespmem:s23+$0x0] =	vst v1  }
0x192: {  	v59 =	vmul.f32 v8, v5;
	[tilespmem:s23+$0x20] =	vst v2  }
0x193: {  	s5 =	sadd.s32 $0x1, s12;
	v60 =	vmul.f32 v8, v6;
	[tilespmem:s23+$0x30] =	vst v4  }
0x194: {  	v61 =	vmov s5;
	v0 =	vmul.f32 v8, v0;
	[tilespmem:s23+$0x50] =	vst v59  }
0x195: {  	v62 =	vmul.f32 v8, v7;
	[tilespmem:s23+$0x60] =	vst v60  }
0x196: {  	p1 =	sgt.u32 s21, $0x7A;
	v63 =	vmul.f32 v8, v3;
	[tilespmem:s23+$0x10] =	vst v0  }
0x197: {  	s5 =	smul.u32 @!p1 $0x50, s21;
	[tilespmem:s23+$0x70] =	vst v62  }
0x198: {  	[tilespmem:s23+$0x40] =	vst v63  }
0x199: {  	s5 =	sadd.s32 @!p1 $0xA0, s5;
	[tilespmem:v61+s7+$0x0] =	vst.idx.msk $0x1, v8  }
0x19a: {  	[spmem:s2] =	stream.indirect.scatter.add.f32 [tilespmem:s10], [sflag:$0x6], $0x80, s8, s30, $0xb8;
	[tilespmem:$0x1DF78] =	vst v63  }
0x19b: {  	s12 =	simm.s32 @!p1 $0x0;
	s11 =	sadd.s32 @!p1 s9, s5  }
0x19c: {  	[spmem:s4] =	stream.indirect.scatter.add.f32 [tilespmem:s7], [sflag:$0x6], $0x1, s8, s30, $0xb8;
	[tilespmem:$0x1DF78] =	vst v63  }
.Ltmp6:
0x19d: {  	s5 =	sadd.s32 @!p1 s13, s5;
	s11 =	sshrl.u32 @!p1 s11, $0x3;
	(pc) =	sbr.rel .LBB2_9-.Ltmp6, $4  }
0x19e: {  	s14 =	simm.s32 @!p1 $0x13BF8;
	s5 =	sshrl.u32 @!p1 s5, $0x3;
	s11 =	sadd.s32 @!p1 s6, s11  }
0x19f: {  	[tilespmem:s14], [sflag:$0x4] =	stream.linear.gather @!p1 [hbm4b:s11+s12], $0x50, $0x38;
	[tilespmem:$0x1DF78] =	vst v63  }
0x1a0: {  	s5 =	sadd.s32 @!p1 s6, s5;
	s11 =	simm.s32 @!p1 $0x13C78  }
0x1a1: {  	[tilespmem:s11], [sflag:$0x4] =	stream.linear.gather @!p1 [hbm4b:s5+s12], $0x50, $0x38;
	[tilespmem:$0x1DF78] =	vst v63  }
.LBB2_3:
0x1a2: {  	_ =	swait.ge [sflag:s16], $0x2800  }
0x1a3: {  	[sflag:s16] =	ssyncset.done $0x0  }
0x1a4: {  	[sflag:s16] =	ssyncadd.s32 $0xFFFFD800  }
0x1a5: {  	_ =	swait.ge [sflag:s16], $0x2800  }
0x1a6: {  	p6 =	seq.s32 s21, $0x7C;
	[sflag:s16] =	ssyncset.done $0x0  }
0x1a7: {  	s5 =	simm.s32 @!p6 $0x4;
	[sflag:s16] =	ssyncadd.s32 $0xFFFFD800  }
0x1a8: {  	_ =	swait.ge @!p6 [sflag:s5], $0x50  }
0x1a9: {  	[sflag:s5] =	ssyncset.done @!p6 $0x0  }
0x1aa: {  	[sflag:s5] =	ssyncadd.s32 @!p6 $0xFFFFFFB0  }
0x1ab: {  	p1 =	seq.s32 @!p6 s21, $0x0;
	_ =	swait.ge @!p6 [sflag:s5], $0x50  }
0x1ac: {  	p1 =	por p1, p6;
	[sflag:s5] =	ssyncset.done @!p6 $0x0  }
0x1ad: {  	[sflag:s5] =	ssyncadd.s32 @!p6 $0xFFFFFFB0;
	s5 =	simm.s32 @!p1 $0x6  }
0x1ae: {  	_ =	swait.ge @!p1 [sflag:s5], $0x2800  }
0x1af: {  	[sflag:s5] =	ssyncset.done @!p1 $0x0  }
0x1b0: {  	[sflag:s5] =	ssyncadd.s32 @!p1 $0xFFFFD800  }
0x1b1: {  	_ =	swait.ge @!p1 [sflag:s5], $0x50  }
0x1b2: {  	s12 =	simm.s32 @!p6 $0x13BF8;
	[sflag:s5] =	ssyncset.done @!p1 $0x0  }
0x1b3: {  	s15 =	simm.s32 @!p6 $0x18DF8;
	[sflag:s5] =	ssyncadd.s32 @!p1 $0xFFFFFFB0;
	s5 =	simm.s32 @!p6 $0x50  }
0x1b4: {  	[tilespmem:s15], [sflag:$0x2] =	stream.indirect.gather @!p6 [hbm4b:s1+s5], $0x80, s12, s5, $0xb8;
	[tilespmem:$0x1DF78] =	vst v63  }
0x1b5: {  	s12 =	simm.s32 @!p6 $0x13C78;
	s15 =	simm.s32 @!p6 $0x1B5F8  }
0x1b6: {  	[tilespmem:s15], [sflag:$0x2] =	stream.indirect.gather @!p6 [hbm4b:s1+s5], $0x80, s12, s5, $0xb8;
	[tilespmem:$0x1DF78] =	vst v63  }
0x1b7: {  	v0 =	vld [tilespmem:$0x13B78]  }
0x1b8: {  	v1 =	vld [tilespmem:$0x13B88]  }
0x1b9: {  	v2 =	vld [tilespmem:$0x13B98]  }
0x1ba: {  	v3 =	vld [tilespmem:$0x13BA8]  }
0x1bb: {  	v4 =	vld [tilespmem:$0x13BB8]  }
0x1bc: {  	[tilespmem:$0x13CF8] =	vst v0  }
0x1bd: {  	[tilespmem:$0x13D08] =	vst v1  }
0x1be: {  	[tilespmem:$0x13D18] =	vst v2  }
0x1bf: {  	[tilespmem:$0x13D28] =	vst v3  }
0x1c0: {  	s22 =	simm.s32 $0x13E78;
	[tilespmem:$0x13D38] =	vst v4  }
0x1c1: {  	s15 =	simm.s32 $0x16678;
	v0 =	vld [tilespmem:s22+$0xFFFFFF80]  }
0x1c2: {  	v1 =	vld [tilespmem:s15+$0xFFFFFF90]  }
0x1c3: {  	v2 =	vld [tilespmem:s22+$0xFFFFFF90]  }
0x1c4: {  	v3 =	vld [tilespmem:s15+$0xFFFFFF80]  }
0x1c5: {  	v4 =	vld [tilespmem:s15+$0xFFFFFFA0]  }
0x1c6: {  	v5 =	vld [tilespmem:s22+$0xFFFFFFA0]  }
0x1c7: {  	v6 =	vld [tilespmem:s15+$0xFFFFFFB0]  }
0x1c8: {  	v7 =	vld [tilespmem:s22+$0xFFFFFFB0]  }
0x1c9: {  	v8 =	vld [tilespmem:s15+$0xFFFFFFC0];
	v1 =	vsub.f32 v2, v1;
	v3 =	vsub.f32 v0, v3  }
0x1ca: {  	v9 =	vld [tilespmem:s22+$0xFFFFFFC0]  }
0x1cb: {  	v10 =	vld [tilespmem:s15+$0xFFFFFFD0];
	v4 =	vsub.f32 v5, v4;
	v3 =	vmul.f32 v3, v3;
	v1 =	vmul.f32 v1, v1  }
0x1cc: {  	v11 =	vld [tilespmem:s22+$0xFFFFFFD0]  }
0x1cd: {  	v12 =	vld [tilespmem:s22+$0xFFFFFFE0];
	v1 =	vadd.f32 v1, v3;
	v3 =	vmul.f32 v4, v4;
	v4 =	vsub.f32 v7, v6  }
0x1ce: {  	v6 =	vld [tilespmem:s15+$0xFFFFFFE0]  }
0x1cf: {  	v13 =	vld [tilespmem:s22+$0xFFFFFFF0];
	v1 =	vadd.f32 v3, v1;
	v3 =	vmul.f32 v4, v4;
	v4 =	vsub.f32 v9, v8  }
0x1d0: {  	v8 =	vld [tilespmem:s15+$0xFFFFFFF0]  }
0x1d1: {  	v1 =	vadd.f32 v3, v1;
	v3 =	vmul.f32 v4, v4;
	v4 =	vsub.f32 v11, v10;
	_ =	sdelay $0x1  }
0x1d2: {  	v1 =	vadd.f32 v3, v1;
	v3 =	vmul.f32 v4, v4;
	v4 =	vsub.f32 v12, v6;
	_ =	sdelay $0x1  }
0x1d3: {  	v1 =	vadd.f32 v3, v1;
	v3 =	vmul.f32 v4, v4;
	v4 =	vsub.f32 v13, v8;
	_ =	sdelay $0x1  }
0x1d4: {  	v1 =	vadd.f32 v3, v1;
	v3 =	vmul.f32 v4, v4;
	_ =	sdelay $0x1  }
0x1d5: {  	v1 =	vadd.f32 v3, v1;
	_ =	sdelay $0x1  }
0x1d6: {  	(xrf2) =	vadd.scan.msk.f32 $0xffff, v1;
	_ =	sdelay $0x9  }
0x1d7: {  	v1, _, _ =	vpop (xrf2)  }
0x1d8: {  	(v2sf) =	vpush v1, $0xF;
	_ =	sdelay $0xe  }
0x1d9: {  	s14 =	spop (v2sf)  }
0x1da: {  	s5 =	sadd.f32 $9.999999960e-13, s14;
	_ =	sdelay $0x1  }
0x1db: {  	s19 =	sshra.s32 s5, $0x1;
	s23 =	smul.f32 $5.000000000e-01, s5  }
0x1dc: {  	s12 =	ssub.s32 $0x5F3759DF, s19  }
0x1dd: {  	s14 =	smul.f32 s12, s23;
	_ =	sdelay $0x1  }
0x1de: {  	s14 =	smul.f32 s12, s14;
	_ =	sdelay $0x1  }
0x1df: {  	s14 =	ssub.f32 $1.500000000e+00, s14;
	_ =	sdelay $0x1  }
0x1e0: {  	s12 =	smul.f32 s12, s14;
	_ =	sdelay $0x1  }
0x1e1: {  	s14 =	smul.f32 s12, s23;
	_ =	sdelay $0x1  }
0x1e2: {  	s14 =	smul.f32 s14, s12;
	_ =	sdelay $0x1  }
0x1e3: {  	s14 =	ssub.f32 $1.500000000e+00, s14;
	_ =	sdelay $0x1  }
0x1e4: {  	s12 =	smul.f32 s14, s12;
	_ =	sdelay $0x1  }
0x1e5: {  	s14 =	smul.f32 s12, s23;
	_ =	sdelay $0x1  }
0x1e6: {  	s14 =	smul.f32 s14, s12;
	_ =	sdelay $0x1  }
0x1e7: {  	s14 =	ssub.f32 $1.500000000e+00, s14;
	_ =	sdelay $0x1  }
0x1e8: {  	s12 =	smul.f32 s14, s12;
	_ =	sdelay $0x1  }
0x1e9: {  	s5 =	smul.f32 s12, s5;
	_ =	sdelay $0x1  }
0x1ea: {  	s5 =	smul.f32 s5, s20;
	_ =	sdelay $0x1  }
0x1eb: {  	v1 =	vmov s5  }
0x1ec: {  	v1 =	vadd.f32 $0.0e+00, v1;
	_ =	sdelay $0x1  }
0x1ed: {  	v1 =	vmul.f32 $1.442695020e+00, v1;
	_ =	sdelay $0x1  }
0x1ee: {  	v1 =	vbroadcast v1, $0x0;
	_ =	sdelay $0x1  }
0x1ef: {  	(erf) = vpow2.f32 v1;
	_ =	sdelay $0x8  }
0x1f0: {  	v1 =	vpop (erf)  }
0x1f1: {  	v3 =	vmul.f32 v1, v13  }
0x1f2: {  	s12 =	simm.s32 $0x0;
	v4 =	vmul.f32 v1, v9  }
0x1f3: {  	v0 =	vmul.f32 v1, v0;
	[tilespmem:s22+$0xFFFFFFF0] =	vst v3;
	v3 =	vmov s12  }
0x1f4: {  	v5 =	vmul.f32 v1, v5;
	[tilespmem:s22+$0xFFFFFFC0] =	vst v4;
	v3 =	vand.u32 $0xFFFFFFFE, v3  }
0x1f5: {  	v2 =	vmul.f32 v1, v2;
	[tilespmem:s22+$0xFFFFFF80] =	vst v0;
	v0 =	vbroadcast v3, $0x0  }
0x1f6: {  	v4 =	vmul.f32 v1, v12;
	[tilespmem:s22+$0xFFFFFFA0] =	vst v5  }
0x1f7: {  	v5 =	vmul.f32 v1, v11;
	[tilespmem:s22+$0xFFFFFF90] =	vst v2  }
0x1f8: {  	v3 =	vmul.f32 v1, v7;
	[tilespmem:s22+$0xFFFFFFE0] =	vst v4  }
0x1f9: {  	[tilespmem:s22+$0xFFFFFFD0] =	vst v5  }
0x1fa: {  	[tilespmem:s22+$0xFFFFFFB0] =	vst v3  }
0x1fb: {  	[tilespmem:v0+s17+$0x0] =	vst.idx.msk $0x1, v1  }
0x1fc: {  	v3 =	vld [tilespmem:s15+$0x10]  }
0x1fd: {  	v0 =	vld [tilespmem:s22+$0x10]  }
0x1fe: {  	v1 =	vld [tilespmem:s22+$0x0]  }
0x1ff: {  	v5 =	vld [tilespmem:s15+$0x0]  }
0x200: {  	v6 =	vld [tilespmem:s15+$0x20]  }
0x201: {  	v2 =	vld [tilespmem:s22+$0x20]  }
0x202: {  	v7 =	vld [tilespmem:s15+$0x30]  }
0x203: {  	v4 =	vld [tilespmem:s22+$0x30]  }
0x204: {  	v51 =	vld [tilespmem:s15+$0x40];
	v8 =	vsub.f32 v0, v3;
	v5 =	vsub.f32 v1, v5  }
0x205: {  	v3 =	vld [tilespmem:s22+$0x40]  }
0x206: {  	v53 =	vld [tilespmem:s15+$0x50];
	v6 =	vsub.f32 v2, v6;
	v8 =	vmul.f32 v8, v8;
	v52 =	vmul.f32 v5, v5  }
0x207: {  	v5 =	vld [tilespmem:s22+$0x50]  }
0x208: {  	v55 =	vld [tilespmem:s15+$0x60];
	v7 =	vsub.f32 v4, v7;
	v54 =	vmul.f32 v6, v6;
	v8 =	vadd.f32 v8, v52  }
0x209: {  	v6 =	vld [tilespmem:s22+$0x60]  }
0x20a: {  	v57 =	vld [tilespmem:s15+$0x70];
	v56 =	vmul.f32 v7, v7;
	v9 =	vsub.f32 v3, v51;
	v8 =	vadd.f32 v54, v8  }
0x20b: {  	v7 =	vld [tilespmem:s22+$0x70]  }
0x20c: {  	v9 =	vmul.f32 v9, v9;
	v58 =	vsub.f32 v5, v53;
	v8 =	vadd.f32 v56, v8;
	_ =	sdelay $0x1  }
0x20d: {  	v60 =	vsub.f32 v6, v55;
	v59 =	vmul.f32 v58, v58;
	v8 =	vadd.f32 v9, v8;
	_ =	sdelay $0x1  }
0x20e: {  	v62 =	vsub.f32 v7, v57;
	v61 =	vmul.f32 v60, v60;
	v8 =	vadd.f32 v59, v8;
	_ =	sdelay $0x1  }
0x20f: {  	v63 =	vmul.f32 v62, v62;
	v8 =	vadd.f32 v61, v8;
	_ =	sdelay $0x1  }
0x210: {  	v8 =	vadd.f32 v63, v8;
	_ =	sdelay $0x1  }
0x211: {  	(xrf2) =	vadd.scan.msk.f32 $0xffff, v8;
	_ =	sdelay $0x9  }
0x212: {  	v8, _, _ =	vpop (xrf2)  }
0x213: {  	(v2sf) =	vpush v8, $0xF;
	_ =	sdelay $0xe  }
0x214: {  	s24 =	spop (v2sf)  }
0x215: {  	s5 =	sadd.f32 $9.999999960e-13, s24;
	_ =	sdelay $0x1  }
0x216: {  	s11 =	sshra.s32 s5, $0x1;
	s19 =	smul.f32 $5.000000000e-01, s5  }
0x217: {  	s14 =	ssub.s32 $0x5F3759DF, s11  }
0x218: {  	s24 =	smul.f32 s14, s19;
	_ =	sdelay $0x1  }
0x219: {  	s24 =	smul.f32 s14, s24;
	_ =	sdelay $0x1  }
0x21a: {  	s24 =	ssub.f32 $1.500000000e+00, s24;
	_ =	sdelay $0x1  }
0x21b: {  	s14 =	smul.f32 s14, s24;
	_ =	sdelay $0x1  }
0x21c: {  	s24 =	smul.f32 s14, s19;
	_ =	sdelay $0x1  }
0x21d: {  	s24 =	smul.f32 s24, s14;
	_ =	sdelay $0x1  }
0x21e: {  	s24 =	ssub.f32 $1.500000000e+00, s24;
	_ =	sdelay $0x1  }
0x21f: {  	s14 =	smul.f32 s24, s14;
	_ =	sdelay $0x1  }
0x220: {  	s23 =	smul.f32 s14, s19;
	_ =	sdelay $0x1  }
0x221: {  	s23 =	smul.f32 s23, s14;
	_ =	sdelay $0x1  }
0x222: {  	s23 =	ssub.f32 $1.500000000e+00, s23;
	_ =	sdelay $0x1  }
0x223: {  	s14 =	smul.f32 s23, s14;
	_ =	sdelay $0x1  }
0x224: {  	s5 =	smul.f32 s14, s5;
	_ =	sdelay $0x1  }
0x225: {  	s5 =	smul.f32 s5, s20;
	_ =	sdelay $0x1  }
0x226: {  	v8 =	vmov s5  }
0x227: {  	v8 =	vadd.f32 $0.0e+00, v8;
	_ =	sdelay $0x1  }
0x228: {  	v8 =	vmul.f32 $1.442695020e+00, v8;
	_ =	sdelay $0x1  }
0x229: {  	v8 =	vbroadcast v8, $0x0;
	_ =	sdelay $0x1  }
0x22a: {  	(erf) = vpow2.f32 v8;
	_ =	sdelay $0x1  }
0x22b: {  	s23 =	simm.s32 $0x13E78;
	s5 =	simm.s32 $0x2  }
.LBB2_4:
0x22c: {  	p6 =	slt.u32 s5, $0x4E;
	s15 =	sadd.s32 $0x100, s15;
	s22 =	sadd.s32 $0x100, s22  }
0x22d: {  	s14 =	smov.u32 s5;
	s5 =	sadd.s32 $0x2, s5;
	_ =	sdelay $0x4  }
0x22e: {  	v8 =	vpop (erf)  }
0x22f: {  	v1 =	vmul.f32 v8, v1;
	v0 =	vmul.f32 v8, v0  }
0x230: {  	v2 =	vmul.f32 v8, v2;
	v4 =	vmul.f32 v8, v4  }
0x231: {  	[tilespmem:s23+$0x0] =	vst v1;
	v1 =	vmul.f32 v8, v3;
	v3 =	vmul.f32 v8, v5  }
0x232: {  	s24 =	sadd.s32 $0x1, s12;
	s12 =	smov.u32 s14;
	v5 =	vmul.f32 v8, v7;
	[tilespmem:s23+$0x20] =	vst v2;
	v2 =	vmul.f32 v8, v6  }
0x233: {  	[tilespmem:s23+$0x30] =	vst v4;
	v4 =	vmov s24  }
0x234: {  	[tilespmem:s23+$0x50] =	vst v3  }
0x235: {  	[tilespmem:s23+$0x60] =	vst v2  }
0x236: {  	[tilespmem:s23+$0x10] =	vst v0  }
0x237: {  	[tilespmem:s23+$0x70] =	vst v5  }
0x238: {  	[tilespmem:s23+$0x40] =	vst v1;
	s23 =	smov.u32 s22  }
0x239: {  	[tilespmem:v4+s17+$0x0] =	vst.idx.msk $0x1, v8  }
0x23a: {  	v0 =	vld [tilespmem:s22+$0xFFFFFF80]  }
0x23b: {  	v3 =	vld [tilespmem:s15+$0xFFFFFF90]  }
0x23c: {  	v1 =	vld [tilespmem:s22+$0xFFFFFF90]  }
0x23d: {  	v4 =	vld [tilespmem:s15+$0xFFFFFF80]  }
0x23e: {  	v5 =	vld [tilespmem:s15+$0xFFFFFFA0]  }
0x23f: {  	v2 =	vld [tilespmem:s22+$0xFFFFFFA0]  }
0x240: {  	v7 =	vld [tilespmem:s15+$0xFFFFFFB0]  }
0x241: {  	v6 =	vsub.f32 v1, v3;
	v3 =	vld [tilespmem:s22+$0xFFFFFFB0]  }
0x242: {  	v8 =	vsub.f32 v0, v4;
	v9 =	vld [tilespmem:s15+$0xFFFFFFC0]  }
0x243: {  	v4 =	vld [tilespmem:s22+$0xFFFFFFC0]  }
0x244: {  	v10 =	vmul.f32 v6, v6;
	v8 =	vmul.f32 v8, v8;
	v5 =	vsub.f32 v2, v5;
	v11 =	vld [tilespmem:s15+$0xFFFFFFD0]  }
0x245: {  	v6 =	vld [tilespmem:s22+$0xFFFFFFD0]  }
0x246: {  	v8 =	vadd.f32 v10, v8;
	v10 =	vmul.f32 v5, v5;
	v7 =	vsub.f32 v3, v7;
	v12 =	vld [tilespmem:s15+$0xFFFFFFE0]  }
0x247: {  	v5 =	vld [tilespmem:s22+$0xFFFFFFE0]  }
0x248: {  	v8 =	vadd.f32 v10, v8;
	v10 =	vmul.f32 v7, v7;
	v9 =	vsub.f32 v4, v9;
	v13 =	vld [tilespmem:s15+$0xFFFFFFF0]  }
0x249: {  	v7 =	vld [tilespmem:s22+$0xFFFFFFF0]  }
0x24a: {  	v8 =	vadd.f32 v10, v8;
	v9 =	vmul.f32 v9, v9;
	v10 =	vsub.f32 v6, v11;
	_ =	sdelay $0x1  }
0x24b: {  	v8 =	vadd.f32 v9, v8;
	v9 =	vmul.f32 v10, v10;
	v10 =	vsub.f32 v5, v12;
	_ =	sdelay $0x1  }
0x24c: {  	v8 =	vadd.f32 v9, v8;
	v9 =	vmul.f32 v10, v10;
	v10 =	vsub.f32 v7, v13;
	_ =	sdelay $0x1  }
0x24d: {  	v8 =	vadd.f32 v9, v8;
	v9 =	vmul.f32 v10, v10;
	_ =	sdelay $0x1  }
0x24e: {  	v8 =	vadd.f32 v9, v8;
	_ =	sdelay $0x1  }
0x24f: {  	(xrf2) =	vadd.scan.msk.f32 $0xffff, v8;
	_ =	sdelay $0x9  }
0x250: {  	v8, _, _ =	vpop (xrf2)  }
0x251: {  	(v2sf) =	vpush v8, $0xF;
	_ =	sdelay $0xe  }
0x252: {  	s14 =	spop (v2sf)  }
0x253: {  	s14 =	sadd.f32 $9.999999960e-13, s14;
	_ =	sdelay $0x1  }
0x254: {  	s24 =	sshra.s32 s14, $0x1;
	s11 =	smul.f32 $5.000000000e-01, s14  }
0x255: {  	s24 =	ssub.s32 $0x5F3759DF, s24  }
0x256: {  	s19 =	smul.f32 s24, s11;
	_ =	sdelay $0x1  }
0x257: {  	s19 =	smul.f32 s24, s19;
	_ =	sdelay $0x1  }
0x258: {  	s19 =	ssub.f32 $1.500000000e+00, s19;
	_ =	sdelay $0x1  }
0x259: {  	s19 =	smul.f32 s24, s19;
	_ =	sdelay $0x1  }
0x25a: {  	s24 =	smul.f32 s19, s11;
	_ =	sdelay $0x1  }
0x25b: {  	s24 =	smul.f32 s24, s19;
	_ =	sdelay $0x1  }
0x25c: {  	s24 =	ssub.f32 $1.500000000e+00, s24;
	_ =	sdelay $0x1  }
0x25d: {  	s19 =	smul.f32 s24, s19;
	_ =	sdelay $0x1  }
0x25e: {  	s11 =	smul.f32 s19, s11;
	_ =	sdelay $0x1  }
0x25f: {  	s11 =	smul.f32 s11, s19;
	_ =	sdelay $0x1  }
0x260: {  	s11 =	ssub.f32 $1.500000000e+00, s11;
	_ =	sdelay $0x1  }
0x261: {  	s11 =	smul.f32 s11, s19;
	_ =	sdelay $0x1  }
0x262: {  	s11 =	smul.f32 s11, s14;
	_ =	sdelay $0x1  }
0x263: {  	s11 =	smul.f32 s11, s20;
	_ =	sdelay $0x1  }
0x264: {  	v8 =	vmov s11  }
0x265: {  	v8 =	vadd.f32 $0.0e+00, v8;
	_ =	sdelay $0x1  }
0x266: {  	v8 =	vmul.f32 $1.442695020e+00, v8;
	_ =	sdelay $0x1  }
0x267: {  	v8 =	vbroadcast v8, $0x0;
	_ =	sdelay $0x1  }
0x268: {  	(erf) = vpow2.f32 v8;
	_ =	sdelay $0x8  }
0x269: {  	v8 =	vpop (erf)  }
0x26a: {  	v4 =	vmul.f32 v8, v4;
	v7 =	vmul.f32 v8, v7  }
0x26b: {  	v0 =	vmul.f32 v8, v0;
	v6 =	vmul.f32 v8, v6  }
0x26c: {  	v1 =	vmul.f32 v8, v1;
	v2 =	vmul.f32 v8, v2;
	[tilespmem:s22+$0xFFFFFFF0] =	vst v7;
	v7 =	vmov s12  }
0x26d: {  	v3 =	vmul.f32 v8, v3;
	[tilespmem:s22+$0xFFFFFFC0] =	vst v4;
	v4 =	vmul.f32 v8, v5;
	v5 =	vand.u32 $0xFFFFFFFE, v7  }
0x26e: {  	[tilespmem:s22+$0xFFFFFF80] =	vst v0;
	v0 =	vbroadcast v5, $0x0  }
0x26f: {  	[tilespmem:s22+$0xFFFFFFA0] =	vst v2  }
0x270: {  	[tilespmem:s22+$0xFFFFFFE0] =	vst v4  }
0x271: {  	[tilespmem:s22+$0xFFFFFFB0] =	vst v3  }
0x272: {  	[tilespmem:s22+$0xFFFFFFD0] =	vst v6  }
0x273: {  	[tilespmem:s22+$0xFFFFFF90] =	vst v1  }
0x274: {  	[tilespmem:v0+s17+$0x0] =	vst.idx.msk $0x1, v8  }
0x275: {  	v3 =	vld [tilespmem:s15+$0x10]  }
0x276: {  	v0 =	vld [tilespmem:s22+$0x10]  }
0x277: {  	v1 =	vld [tilespmem:s22+$0x0]  }
0x278: {  	v5 =	vld [tilespmem:s15+$0x0]  }
0x279: {  	v6 =	vld [tilespmem:s15+$0x20]  }
0x27a: {  	v2 =	vld [tilespmem:s22+$0x20]  }
0x27b: {  	v3 =	vsub.f32 v0, v3;
	v7 =	vld [tilespmem:s15+$0x30]  }
0x27c: {  	v4 =	vld [tilespmem:s22+$0x30]  }
0x27d: {  	v5 =	vsub.f32 v1, v5;
	v8 =	vmul.f32 v3, v3;
	v9 =	vld [tilespmem:s15+$0x40]  }
0x27e: {  	v3 =	vld [tilespmem:s22+$0x40]  }
0x27f: {  	v10 =	vmul.f32 v5, v5;
	v6 =	vsub.f32 v2, v6;
	v11 =	vld [tilespmem:s15+$0x50]  }
0x280: {  	v5 =	vld [tilespmem:s22+$0x50]  }
0x281: {  	v8 =	vadd.f32 v8, v10;
	v10 =	vmul.f32 v6, v6;
	v7 =	vsub.f32 v4, v7;
	v12 =	vld [tilespmem:s15+$0x60]  }
0x282: {  	v6 =	vld [tilespmem:s22+$0x60]  }
0x283: {  	v8 =	vadd.f32 v10, v8;
	v10 =	vmul.f32 v7, v7;
	v9 =	vsub.f32 v3, v9;
	v13 =	vld [tilespmem:s15+$0x70]  }
0x284: {  	v7 =	vld [tilespmem:s22+$0x70]  }
0x285: {  	v8 =	vadd.f32 v10, v8;
	v9 =	vmul.f32 v9, v9;
	v10 =	vsub.f32 v5, v11;
	_ =	sdelay $0x1  }
0x286: {  	v8 =	vadd.f32 v9, v8;
	v9 =	vmul.f32 v10, v10;
	v10 =	vsub.f32 v6, v12;
	_ =	sdelay $0x1  }
0x287: {  	v8 =	vadd.f32 v9, v8;
	v9 =	vmul.f32 v10, v10;
	v10 =	vsub.f32 v7, v13;
	_ =	sdelay $0x1  }
0x288: {  	v8 =	vadd.f32 v9, v8;
	v9 =	vmul.f32 v10, v10;
	_ =	sdelay $0x1  }
0x289: {  	v8 =	vadd.f32 v9, v8;
	_ =	sdelay $0x1  }
0x28a: {  	(xrf2) =	vadd.scan.msk.f32 $0xffff, v8;
	_ =	sdelay $0x9  }
0x28b: {  	v8, _, _ =	vpop (xrf2)  }
0x28c: {  	(v2sf) =	vpush v8, $0xF;
	_ =	sdelay $0xe  }
0x28d: {  	s11 =	spop (v2sf)  }
0x28e: {  	s11 =	sadd.f32 $9.999999960e-13, s11;
	_ =	sdelay $0x1  }
0x28f: {  	s14 =	sshra.s32 s11, $0x1;
	s19 =	smul.f32 $5.000000000e-01, s11  }
0x290: {  	s14 =	ssub.s32 $0x5F3759DF, s14  }
0x291: {  	s24 =	smul.f32 s14, s19;
	_ =	sdelay $0x1  }
0x292: {  	s24 =	smul.f32 s14, s24;
	_ =	sdelay $0x1  }
0x293: {  	s24 =	ssub.f32 $1.500000000e+00, s24;
	_ =	sdelay $0x1  }
0x294: {  	s14 =	smul.f32 s14, s24;
	_ =	sdelay $0x1  }
0x295: {  	s24 =	smul.f32 s14, s19;
	_ =	sdelay $0x1  }
0x296: {  	s24 =	smul.f32 s24, s14;
	_ =	sdelay $0x1  }
0x297: {  	s24 =	ssub.f32 $1.500000000e+00, s24;
	_ =	sdelay $0x1  }
0x298: {  	s14 =	smul.f32 s24, s14;
	_ =	sdelay $0x1  }
0x299: {  	s19 =	smul.f32 s14, s19;
	_ =	sdelay $0x1  }
0x29a: {  	s19 =	smul.f32 s19, s14;
	_ =	sdelay $0x1  }
0x29b: {  	s19 =	ssub.f32 $1.500000000e+00, s19;
	_ =	sdelay $0x1  }
0x29c: {  	s14 =	smul.f32 s19, s14;
	_ =	sdelay $0x1  }
0x29d: {  	s11 =	smul.f32 s14, s11;
	_ =	sdelay $0x1  }
0x29e: {  	s11 =	smul.f32 s11, s20;
	_ =	sdelay $0x1  }
0x29f: {  	v8 =	vmov s11  }
0x2a0: {  	v8 =	vadd.f32 $0.0e+00, v8;
	_ =	sdelay $0x1  }
.Ltmp7:
0x2a1: {  	v8 =	vmul.f32 $1.442695020e+00, v8;
	(pc) =	sbr.rel @p6 .LBB2_4-.Ltmp7, $3  }
0x2a2: {  	_ = 	snop  }
0x2a3: {  	v8 =	vbroadcast v8, $0x0;
	_ =	sdelay $0x1  }
0x2a4: {  	(erf) = vpow2.f32 v8  }
.Ltmp8:
0x2a5: {  	_ = 	snop;
	(pc) =	sbr.rel .LBB2_5-.Ltmp8, $1  }
0x2a6: {  	_ =	sdelay $0x3  }
.LBB2_11:
0x2a7: {  	_ =	sfence.sel $0x180000  }
0x2a8: {  	[bflag:$0x0] =	sbarrier.arrive $0xFFFF  }
0x2a9: {  	_ =	strace $0x90000047  }
0x2aa: {  	s0 =	stileid.u32;
	[bflag:$0x2] =	sbarrier.arrive $0xFFFF  }
0x2ab: {  	p0 =	sne.s32 s0, $0x0;
	s0 =	rddreg [dreg:$0x4]  }
0x2ac: {  	s0 =	sadd.s32 @!p0 $0x100000, s0  }
0x2ad: {  	[sflag:s0] =	ssyncadd.tile.s32 @!p0 $0x1;
	_ =	shalt  }
.Lfunc_end2:
_tile_overlayer_lowered:
.L_overlay_start_2:
0x2ae: {  	(tag) =	ssettag $0x2  }
0x2af: {  	s0 =	rddreg [dreg:$0x0];
	s2 =	stileid.u32  }
0x2b0: {  	s1 =	rddreg [dreg:$0x1];
	p0 =	sne.s32 s2, $0x0  }
0x2b1: {  	s3 =	rddreg [dreg:$0x2];
	[bflag:$0x3] =	sbarrier.arrive $0xFFFF;
	s2 =	simm.s32 @!p0 $0x1C07  }
0x2b2: {  	[timem:s3], [sflag:s2] =	dma.local @!p0 [hbm:s0], s1  }
0x2b3: {  	s0 =	simm.s32 @!p0 $0x7  }
0x2b4: {  	_ =	swait.ge @!p0 [sflag:s0], s1  }
0x2b5: {  	s1 =	ssub.s32 @!p0 $0x0, s1;
	[sflag:s0] =	ssyncset.done @!p0 $0x0  }
0x2b6: {  	[sflag:s0] =	ssyncadd.s32 @!p0 s1  }
0x2b7: {  	[bflag:$0x3] =	sbarrier.arrive $0xFFFF  }
0x2b8: {  	_ =	shalt  }

</sc_bundles>
